<compile_context>
chip_gen: v7x
topology: tpu7x:2x2x1
jax: 0.10.2.dev20260603
libtpu: 0.0.44.dev20260713+nightly
codegen_flags: <defaults>
</compile_context>

<pallas_src>
import functools

import jax
import jax.numpy as jnp
from jax import lax
from jax.experimental import pallas as pl
from jax.experimental.pallas import tpu as pltpu
from jax.experimental.pallas import tpu_sc as plsc

_N = 10000
_D = 128
_H = 64
_A = 4
_NPAD = 10240
_NC = 2
_NS = 16
_NW = _NC * _NS
_CHUNK = 128
_NCHUNKS = 2500
_CPT = 78
_XTRA = _NCHUNKS - _CPT * _NW
_NB = 3
_LA = 1
_RPT = _NPAD // _NS
_CW = 16
_BLK = 2048
_GRID = _NPAD // _BLK

_MESH = plsc.VectorSubcoreMesh(
    core_axis_name="c", subcore_axis_name="s",
    num_cores=_NC, num_subcores=_NS)
_SC_PARAMS = pltpu.CompilerParams(use_tc_tiling_on_sc=False)


def _chunk_off(wid):
  return _CPT * wid + jnp.minimum(wid, _XTRA)


@functools.partial(
    pl.kernel,
    out_type=jax.ShapeDtypeStruct((_NC * _NPAD, _H), jnp.float32),
    mesh=_MESH,
    compiler_params=_SC_PARAMS,
    scratch_types=[
        pltpu.VMEM((_CPT + 1, _CHUNK), jnp.int32),
        pltpu.VMEM((_CPT + 1, _CHUNK), jnp.int32),
        pltpu.VMEM((_NB, _CHUNK, _H), jnp.float32),
        pltpu.VMEM_SHARED((_NPAD, _H), jnp.float32),
        pltpu.VMEM_SHARED((_NPAD, _H), jnp.float32),
        [pltpu.SemaphoreType.DMA] * _NB,
        [pltpu.SemaphoreType.DMA] * _NB,
    ],
)
def _seg_sum(p_hbm, src_hbm, dst_hbm, zeros_hbm, out_hbm,
             src_v, dst_v, rows_v, p_sh, acc_sh, gsems, ssems):
  cid = lax.axis_index("c")
  sid = lax.axis_index("s")
  wid = cid * _NS + sid
  off = _chunk_off(wid)

  pltpu.sync_copy(src_hbm.at[pl.ds(off, _CPT)], src_v.at[pl.ds(0, _CPT)])
  pltpu.sync_copy(dst_hbm.at[pl.ds(off, _CPT)], dst_v.at[pl.ds(0, _CPT)])

  @pl.when(wid < _XTRA)
  def _():
    pltpu.sync_copy(src_hbm.at[pl.ds(off + _CPT, 1)],
                    src_v.at[pl.ds(_CPT, 1)])
    pltpu.sync_copy(dst_hbm.at[pl.ds(off + _CPT, 1)],
                    dst_v.at[pl.ds(_CPT, 1)])

  pltpu.sync_copy(p_hbm.at[pl.ds(sid * _RPT, _RPT)],
                  p_sh.at[pl.ds(sid * _RPT, _RPT)])
  pltpu.sync_copy(zeros_hbm, acc_sh.at[pl.ds(sid * _RPT, _RPT)])
  plsc.subcore_barrier()

  for b in range(_LA):
    pltpu.async_copy(p_sh.at[src_v.at[b]], rows_v.at[b], gsems[b])

  def outer(i, carry):
    for b in range(_NB):
      j = i * _NB + b
      bb = (b + _LA) % _NB
      pltpu.make_async_copy(p_sh.at[src_v.at[j]], rows_v.at[b],
                            gsems[b]).wait()

      @pl.when(j + _LA >= _NB)
      def _():
        pltpu.make_async_copy(rows_v.at[bb], acc_sh.at[dst_v.at[0]],
                              ssems[bb]).wait()

      @pl.when(j + _LA < _CPT)
      def _():
        pltpu.async_copy(p_sh.at[src_v.at[j + _LA]], rows_v.at[bb],
                         gsems[bb])

      pltpu.async_copy(rows_v.at[b], acc_sh.at[dst_v.at[j]], ssems[b],
                       add=True)
    return carry

  lax.fori_loop(0, _CPT // _NB, outer, 0)
  for b in range(_LA, _NB):
    pltpu.make_async_copy(rows_v.at[b], acc_sh.at[dst_v.at[0]],
                          ssems[b]).wait()

  @pl.when(wid < _XTRA)
  def _():
    pltpu.async_copy(p_sh.at[src_v.at[_CPT]], rows_v.at[0], gsems[0])
    pltpu.make_async_copy(p_sh.at[src_v.at[_CPT]], rows_v.at[0],
                          gsems[0]).wait()
    pltpu.sync_copy(rows_v.at[0], acc_sh.at[dst_v.at[_CPT]], add=True)

  plsc.subcore_barrier()

  pltpu.sync_copy(acc_sh.at[pl.ds(sid * _RPT, _RPT)],
                  out_hbm.at[pl.ds(cid * _NPAD + sid * _RPT, _RPT)])


@functools.partial(
    pl.kernel,
    out_type=jax.ShapeDtypeStruct((_NC * _NPAD, _CW), jnp.float32),
    mesh=_MESH,
    compiler_params=_SC_PARAMS,
    scratch_types=[
        pltpu.VMEM((_CPT + 1, _CHUNK), jnp.int32),
        pltpu.VMEM((_CHUNK, _CW), jnp.float32),
        pltpu.VMEM_SHARED((_NPAD, _CW), jnp.float32),
        pltpu.SemaphoreType.DMA,
    ],
)
def _deg_count(dst_hbm, ones_hbm, zeros_hbm, out_hbm,
               dst_v, ones_v, acc_sh, sem):
  cid = lax.axis_index("c")
  sid = lax.axis_index("s")
  wid = cid * _NS + sid
  off = _chunk_off(wid)
  nch = _CPT + (wid < _XTRA).astype(jnp.int32)

  pltpu.sync_copy(dst_hbm.at[pl.ds(off, _CPT)], dst_v.at[pl.ds(0, _CPT)])

  @pl.when(wid < _XTRA)
  def _():
    pltpu.sync_copy(dst_hbm.at[pl.ds(off + _CPT, 1)],
                    dst_v.at[pl.ds(_CPT, 1)])

  pltpu.sync_copy(ones_hbm, ones_v)
  pltpu.sync_copy(zeros_hbm, acc_sh.at[pl.ds(sid * _RPT, _RPT)])
  plsc.subcore_barrier()

  def fire(j, carry):
    pltpu.async_copy(ones_v, acc_sh.at[dst_v.at[j]], sem, add=True)
    return carry

  lax.fori_loop(0, nch, fire, 0)

  def drain(j, carry):
    pltpu.make_async_copy(ones_v, acc_sh.at[dst_v.at[0]], sem).wait()
    return carry

  lax.fori_loop(0, nch, drain, 0)
  plsc.subcore_barrier()

  pltpu.sync_copy(acc_sh.at[pl.ds(sid * _RPT, _RPT)],
                  out_hbm.at[pl.ds(cid * _NPAD + sid * _RPT, _RPT)])


def _tc_a_body(x_ref, wl_ref, wr_ref, p_ref, r_ref):
  xb = x_ref[...]
  p_ref[...] = jnp.dot(xb, wl_ref[...], preferred_element_type=jnp.float32)
  r_ref[...] = jnp.dot(xb, wr_ref[...], preferred_element_type=jnp.float32)


def _tc_b_body(a0_ref, a1_ref, c0_ref, c1_ref, r1_ref, b1_ref, wl_ref,
               wr_ref, p2_ref, r2_ref):
  s1 = a0_ref[...] + a1_ref[...]
  cnt = c0_ref[...][:, :1] + c1_ref[...][:, :1]
  ic = 1.0 / jnp.maximum(cnt, 1.0)
  h = jnp.maximum(s1 * ic + b1_ref[...] + r1_ref[...], 0.0)
  p2_ref[...] = jnp.dot(h, wl_ref[...], preferred_element_type=jnp.float32)
  r2_ref[...] = jnp.dot(h, wr_ref[...], preferred_element_type=jnp.float32)


def _tc_c_body(a0_ref, a1_ref, c0_ref, c1_ref, r2_ref, b2_ref, wh1_ref,
               bh1_ref, wh2_ref, bh2_ref, o_ref):
  s2 = a0_ref[...] + a1_ref[...]
  cnt = c0_ref[...][:, :1] + c1_ref[...][:, :1]
  ic = 1.0 / jnp.maximum(cnt, 1.0)
  h2 = jnp.maximum(s2 * ic + b2_ref[...] + r2_ref[...], 0.0)
  h3 = jnp.maximum(
      jnp.dot(h2, wh1_ref[...], preferred_element_type=jnp.float32)
      + bh1_ref[...], 0.0)
  o_ref[...] = jnp.dot(h3, wh2_ref[...],
                       preferred_element_type=jnp.float32) + bh2_ref[...]


def _row_spec(width):
  return pl.BlockSpec((_BLK, width), lambda i: (i, 0))


def _hi_spec(width):
  return pl.BlockSpec((_BLK, width), lambda i: (i + _GRID, 0))


def _full_spec(shape):
  return pl.BlockSpec(shape, lambda i: (0,) * len(shape))


def kernel(x, edge_index, W_l1, b_l1, W_r1, W_l2, b_l2, W_r2,
           W_h1, b_h1, W_h2, b_h2):
  f32 = jnp.float32
  src = edge_index[0].astype(jnp.int32).reshape(_NCHUNKS, _CHUNK)
  dst = edge_index[1].astype(jnp.int32).reshape(_NCHUNKS, _CHUNK)

  zeros64 = jnp.zeros((_RPT, _H), f32)
  zeros16 = jnp.zeros((_RPT, _CW), f32)
  ones16 = jnp.ones((_CHUNK, _CW), f32)

  cnt = _deg_count(dst, ones16, zeros16)

  p1, r1 = pl.pallas_call(
      _tc_a_body,
      grid=(_GRID,),
      in_specs=[_row_spec(_D), _full_spec((_D, _H)), _full_spec((_D, _H))],
      out_specs=[_row_spec(_H), _row_spec(_H)],
      out_shape=[jax.ShapeDtypeStruct((_NPAD, _H), f32)] * 2,
  )(x, W_l1.T, W_r1.T)

  acc1 = _seg_sum(p1, src, dst, zeros64)

  p2, r2 = pl.pallas_call(
      _tc_b_body,
      grid=(_GRID,),
      in_specs=[_row_spec(_H), _hi_spec(_H), _row_spec(_CW), _hi_spec(_CW),
                _row_spec(_H), _full_spec((1, _H)),
                _full_spec((_H, _H)), _full_spec((_H, _H))],
      out_specs=[_row_spec(_H), _row_spec(_H)],
      out_shape=[jax.ShapeDtypeStruct((_NPAD, _H), f32)] * 2,
  )(acc1, acc1, cnt, cnt, r1, b_l1.reshape(1, _H), W_l2.T, W_r2.T)

  acc2 = _seg_sum(p2, src, dst, zeros64)

  wh2 = W_h2.T
  bh2 = b_h2.reshape(1, _A)

  outp = pl.pallas_call(
      _tc_c_body,
      grid=(_GRID,),
      in_specs=[_row_spec(_H), _hi_spec(_H), _row_spec(_CW), _hi_spec(_CW),
                _row_spec(_H), _full_spec((1, _H)), _full_spec((_H, _H)),
                _full_spec((1, _H)), _full_spec((_H, _A)),
                _full_spec((1, _A))],
      out_specs=_row_spec(_A),
      out_shape=jax.ShapeDtypeStruct((_N, _A), f32),
  )(acc2, acc2, cnt, cnt, r2, b_l2.reshape(1, _H), W_h1.T,
    b_h1.reshape(1, _H), wh2, bh2)

  return outp

# --- scband reference (transcript-rebuilt; emitter-appended) ---
"""Pipeline reference for scband-qnetwork-41137196761218 (READ-ONLY COPY).

The authoritative reference and input builder live on the scoring server;
editing this copy changes nothing except your own understanding.
"""

import jax, jax.numpy as jnp
import numpy as np

N = 10000
E = 320000
D = 128
H = 64
A = 4

def setup_inputs(seed: int = 0):
    key = jax.random.key(seed)
    ks = jax.random.split(key, 12)
    inp = {}
    inp['x'] = jax.random.normal(ks[0], (N, D), dtype=jnp.float32)
    inp['edge_index'] = jax.random.randint(ks[1], (2, E), 0, N, dtype=jnp.int32).astype(jnp.int64)
    def lin(k, fout, fin):
        s = 1.0 / np.sqrt(fin)
        return jax.random.uniform(k, (fout, fin), minval=-s, maxval=s, dtype=jnp.float32)
    inp['W_l1'] = lin(ks[2], H, D)
    inp['b_l1'] = jnp.zeros((H,), dtype=jnp.float32)
    inp['W_r1'] = lin(ks[3], H, D)
    inp['W_l2'] = lin(ks[4], H, H)
    inp['b_l2'] = jnp.zeros((H,), dtype=jnp.float32)
    inp['W_r2'] = lin(ks[5], H, H)
    inp['W_h1'] = lin(ks[6], H, H)
    inp['b_h1'] = jnp.zeros((H,), dtype=jnp.float32)
    inp['W_h2'] = lin(ks[7], A, H)
    inp['b_h2'] = jnp.zeros((A,), dtype=jnp.float32)
    return inp

def _sage(x, src, dst, Wl, bl, Wr):
    # PyG SAGEConv with mean aggregation: lin_l(mean_agg(x_src -> dst)) + lin_r(x)
    msgs = jnp.take(x, src, axis=0)
    summed = jax.ops.segment_sum(msgs, dst, num_segments=x.shape[0])
    cnt = jax.ops.segment_sum(jnp.ones((src.shape[0],), dtype=x.dtype), dst, num_segments=x.shape[0])
    agg = summed / jnp.clip(cnt, 1.0)[:, None]
    return agg @ Wl.T + bl + x @ Wr.T

def reference(x, edge_index, W_l1, b_l1, W_r1, W_l2, b_l2, W_r2, W_h1, b_h1, W_h2, b_h2):
    src = edge_index[0]
    dst = edge_index[1]
    h = jax.nn.relu(_sage(x, src, dst, W_l1, b_l1, W_r1))
    h = jax.nn.relu(_sage(h, src, dst, W_l2, b_l2, W_r2))
    h2 = jax.nn.relu(h @ W_h1.T + b_h1)
    return h2 @ W_h2.T + b_h2

if __name__ == "__main__":
    import jax
    _d = setup_inputs()
    print(jax.jit(kernel)(*tuple(_d.values())))

</pallas_src>

<mosaic_0001>
#map = affine_map<(d0, d1) -> (0, 0)>
module attributes {stable_mosaic.version = 14 : i64} {
  func.func @_seg_sum(%arg0: i32, %arg1: i32, %arg2: memref<10240x64xf32, #tpu.memory_space<hbm>>, %arg3: memref<2500x128xi32, #tpu.memory_space<hbm>>, %arg4: memref<2500x128xi32, #tpu.memory_space<hbm>>, %arg5: memref<640x64xf32, #tpu.memory_space<hbm>>, %arg6: memref<20480x64xf32, #tpu.memory_space<hbm>>, %arg7: memref<79x128xi32, #tpu.memory_space<vmem>>, %arg8: memref<79x128xi32, #tpu.memory_space<vmem>>, %arg9: memref<3x128x64xf32, #tpu.memory_space<vmem>>, %arg10: memref<10240x64xf32, #tpu.memory_space<vmem_shared>>, %arg11: memref<10240x64xf32, #tpu.memory_space<vmem_shared>>, %arg12: memref<!tpu.dma_semaphore, #tpu.memory_space<semaphore_mem>>, %arg13: memref<!tpu.dma_semaphore, #tpu.memory_space<semaphore_mem>>, %arg14: memref<!tpu.dma_semaphore, #tpu.memory_space<semaphore_mem>>, %arg15: memref<!tpu.dma_semaphore, #tpu.memory_space<semaphore_mem>>, %arg16: memref<!tpu.dma_semaphore, #tpu.memory_space<semaphore_mem>>, %arg17: memref<!tpu.dma_semaphore, #tpu.memory_space<semaphore_mem>>) attributes {dimension_semantics = [#tpu.dimension_semantics<core_parallel>, #tpu.dimension_semantics<subcore_parallel>], iteration_bounds = array<i64: 2, 16>, scalar_prefetch = 0 : i64, scratch_operands = 11 : i64, tpu.core_type = #tpu.core_type<sc_vector_subcore>, window_params = [{transform_indices = #map}, {transform_indices = #map}, {transform_indices = #map}, {transform_indices = #map}, {transform_indices = #map}]} {
    %mul3A = arith.constant 16 : i32
    %mul3A_0 = arith.muli %arg0, %mul3A : i32
    %add3A = arith.addi %mul3A_0, %arg1 : i32
    %mul3A_1 = arith.constant 78 : i32
    %mul3A_2 = arith.muli %mul3A_1, %add3A : i32
    %min3A = arith.constant 4 : i32
    %min3A_3 = arith.minsi %add3A, %min3A : i32
    %add3A_4 = arith.addi %mul3A_2, %min3A_3 : i32
    "tpu.region"() ({
      %run_scoped3A = tpu.sem_alloc : memref<!tpu.dma_semaphore, #tpu.memory_space<semaphore_mem>>
      %dma_start3A_65 = arith.constant 0 : i32
      %dma_start3A_66 = arith.constant 0 : i32
      %dma_start3A_67 = tpu.memref_slice %arg7[%dma_start3A_65, %dma_start3A_66] : memref<79x128xi32, #tpu.memory_space<vmem>> -> memref<78x128xi32, #tpu.memory_space<vmem>>
      %dma_start3A_68 = arith.constant 0 : i32
      %dma_start3A_69 = tpu.memref_slice %arg3[%add3A_4, %dma_start3A_68] : memref<2500x128xi32, #tpu.memory_space<hbm>> -> memref<78x128xi32, #tpu.memory_space<hbm>>
      %dma_start3A_70 = arith.constant 0 : i32
      %dma_start3A_71 = arith.constant 0 : i32
      %dma_start3A_72 = tpu.memref_slice %arg7[%dma_start3A_70, %dma_start3A_71] : memref<79x128xi32, #tpu.memory_space<vmem>> -> memref<78x128xi32, #tpu.memory_space<vmem>>
      %dma_start3A_73 = arith.constant 0 : i32
      %dma_start3A_74 = tpu.memref_slice %arg3[%add3A_4, %dma_start3A_73] : memref<2500x128xi32, #tpu.memory_space<hbm>> -> memref<78x128xi32, #tpu.memory_space<hbm>>
      tpu.enqueue_dma source(%dma_start3A_74 : memref<78x128xi32, #tpu.memory_space<hbm>>) target(%dma_start3A_72 : memref<78x128xi32, #tpu.memory_space<vmem>>) target_semaphore(%run_scoped3A : memref<!tpu.dma_semaphore, #tpu.memory_space<semaphore_mem>>)
      %dma_wait3A_75 = arith.constant 0 : i32
      %dma_wait3A_76 = arith.constant 0 : i32
      %dma_wait3A_77 = tpu.memref_slice %arg7[%dma_wait3A_75, %dma_wait3A_76] : memref<79x128xi32, #tpu.memory_space<vmem>> -> memref<78x128xi32, #tpu.memory_space<vmem>>
      %dma_wait3A_78 = arith.constant 0 : i32
      %dma_wait3A_79 = tpu.memref_slice %arg3[%add3A_4, %dma_wait3A_78] : memref<2500x128xi32, #tpu.memory_space<hbm>> -> memref<78x128xi32, #tpu.memory_space<hbm>>
      %dma_wait3A_80 = arith.constant 0 : i32
      %dma_wait3A_81 = arith.constant 0 : i32
      %dma_wait3A_82 = tpu.memref_slice %arg7[%dma_wait3A_80, %dma_wait3A_81] : memref<79x128xi32, #tpu.memory_space<vmem>> -> memref<78x128xi32, #tpu.memory_space<vmem>>
      %dma_wait3A_83 = arith.constant 0 : i32
      %dma_wait3A_84 = tpu.memref_slice %arg3[%add3A_4, %dma_wait3A_83] : memref<2500x128xi32, #tpu.memory_space<hbm>> -> memref<78x128xi32, #tpu.memory_space<hbm>>
      tpu.wait_dma2 semaphore(%run_scoped3A : memref<!tpu.dma_semaphore, #tpu.memory_space<semaphore_mem>>) src(%dma_wait3A_84 : memref<78x128xi32, #tpu.memory_space<hbm>>) dst(%dma_wait3A_82 : memref<78x128xi32, #tpu.memory_space<vmem>>)
      tpu.yield
    }) : () -> ()
    "tpu.region"() ({
      %run_scoped3A = tpu.sem_alloc : memref<!tpu.dma_semaphore, #tpu.memory_space<semaphore_mem>>
      %dma_start3A_65 = arith.constant 0 : i32
      %dma_start3A_66 = arith.constant 0 : i32
      %dma_start3A_67 = tpu.memref_slice %arg8[%dma_start3A_65, %dma_start3A_66] : memref<79x128xi32, #tpu.memory_space<vmem>> -> memref<78x128xi32, #tpu.memory_space<vmem>>
      %dma_start3A_68 = arith.constant 0 : i32
      %dma_start3A_69 = tpu.memref_slice %arg4[%add3A_4, %dma_start3A_68] : memref<2500x128xi32, #tpu.memory_space<hbm>> -> memref<78x128xi32, #tpu.memory_space<hbm>>
      %dma_start3A_70 = arith.constant 0 : i32
      %dma_start3A_71 = arith.constant 0 : i32
      %dma_start3A_72 = tpu.memref_slice %arg8[%dma_start3A_70, %dma_start3A_71] : memref<79x128xi32, #tpu.memory_space<vmem>> -> memref<78x128xi32, #tpu.memory_space<vmem>>
      %dma_start3A_73 = arith.constant 0 : i32
      %dma_start3A_74 = tpu.memref_slice %arg4[%add3A_4, %dma_start3A_73] : memref<2500x128xi32, #tpu.memory_space<hbm>> -> memref<78x128xi32, #tpu.memory_space<hbm>>
      tpu.enqueue_dma source(%dma_start3A_74 : memref<78x128xi32, #tpu.memory_space<hbm>>) target(%dma_start3A_72 : memref<78x128xi32, #tpu.memory_space<vmem>>) target_semaphore(%run_scoped3A : memref<!tpu.dma_semaphore, #tpu.memory_space<semaphore_mem>>)
      %dma_wait3A_75 = arith.constant 0 : i32
      %dma_wait3A_76 = arith.constant 0 : i32
      %dma_wait3A_77 = tpu.memref_slice %arg8[%dma_wait3A_75, %dma_wait3A_76] : memref<79x128xi32, #tpu.memory_space<vmem>> -> memref<78x128xi32, #tpu.memory_space<vmem>>
      %dma_wait3A_78 = arith.constant 0 : i32
      %dma_wait3A_79 = tpu.memref_slice %arg4[%add3A_4, %dma_wait3A_78] : memref<2500x128xi32, #tpu.memory_space<hbm>> -> memref<78x128xi32, #tpu.memory_space<hbm>>
      %dma_wait3A_80 = arith.constant 0 : i32
      %dma_wait3A_81 = arith.constant 0 : i32
      %dma_wait3A_82 = tpu.memref_slice %arg8[%dma_wait3A_80, %dma_wait3A_81] : memref<79x128xi32, #tpu.memory_space<vmem>> -> memref<78x128xi32, #tpu.memory_space<vmem>>
      %dma_wait3A_83 = arith.constant 0 : i32
      %dma_wait3A_84 = tpu.memref_slice %arg4[%add3A_4, %dma_wait3A_83] : memref<2500x128xi32, #tpu.memory_space<hbm>> -> memref<78x128xi32, #tpu.memory_space<hbm>>
      tpu.wait_dma2 semaphore(%run_scoped3A : memref<!tpu.dma_semaphore, #tpu.memory_space<semaphore_mem>>) src(%dma_wait3A_84 : memref<78x128xi32, #tpu.memory_space<hbm>>) dst(%dma_wait3A_82 : memref<78x128xi32, #tpu.memory_space<vmem>>)
      tpu.yield
    }) : () -> ()
    %lt3A = arith.constant 4 : i32
    %lt3A_5 = arith.cmpi slt, %add3A, %lt3A : i32
    %convert_element_type3A = arith.extui %lt3A_5 : i1 to i32
    %cond3A = arith.constant 0 : i32
    %cond3A_6 = arith.cmpi ne, %convert_element_type3A, %cond3A : i32
    scf.if %cond3A_6 {
      %add3A_65 = arith.constant 78 : i32
      %add3A_66 = arith.addi %add3A_4, %add3A_65 : i32
      "tpu.region"() ({
        %run_scoped3A = tpu.sem_alloc : memref<!tpu.dma_semaphore, #tpu.memory_space<semaphore_mem>>
        %dma_start3A_69 = arith.constant 78 : i32
        %dma_start3A_70 = arith.constant 0 : i32
        %dma_start3A_71 = tpu.memref_slice %arg7[%dma_start3A_69, %dma_start3A_70] : memref<79x128xi32, #tpu.memory_space<vmem>> -> memref<1x128xi32, #tpu.memory_space<vmem>>
        %dma_start3A_72 = arith.constant 0 : i32
        %dma_start3A_73 = tpu.memref_slice %arg3[%add3A_66, %dma_start3A_72] : memref<2500x128xi32, #tpu.memory_space<hbm>> -> memref<1x128xi32, #tpu.memory_space<hbm>>
        %dma_start3A_74 = arith.constant 78 : i32
        %dma_start3A_75 = arith.constant 0 : i32
        %dma_start3A_76 = tpu.memref_slice %arg7[%dma_start3A_74, %dma_start3A_75] : memref<79x128xi32, #tpu.memory_space<vmem>> -> memref<1x128xi32, #tpu.memory_space<vmem>>
        %dma_start3A_77 = arith.constant 0 : i32
        %dma_start3A_78 = tpu.memref_slice %arg3[%add3A_66, %dma_start3A_77] : memref<2500x128xi32, #tpu.memory_space<hbm>> -> memref<1x128xi32, #tpu.memory_space<hbm>>
        tpu.enqueue_dma source(%dma_start3A_78 : memref<1x128xi32, #tpu.memory_space<hbm>>) target(%dma_start3A_76 : memref<1x128xi32, #tpu.memory_space<vmem>>) target_semaphore(%run_scoped3A : memref<!tpu.dma_semaphore, #tpu.memory_space<semaphore_mem>>)
        %dma_wait3A_79 = arith.constant 78 : i32
        %dma_wait3A_80 = arith.constant 0 : i32
        %dma_wait3A_81 = tpu.memref_slice %arg7[%dma_wait3A_79, %dma_wait3A_80] : memref<79x128xi32, #tpu.memory_space<vmem>> -> memref<1x128xi32, #tpu.memory_space<vmem>>
        %dma_wait3A_82 = arith.constant 0 : i32
        %dma_wait3A_83 = tpu.memref_slice %arg3[%add3A_66, %dma_wait3A_82] : memref<2500x128xi32, #tpu.memory_space<hbm>> -> memref<1x128xi32, #tpu.memory_space<hbm>>
        %dma_wait3A_84 = arith.constant 78 : i32
        %dma_wait3A_85 = arith.constant 0 : i32
        %dma_wait3A_86 = tpu.memref_slice %arg7[%dma_wait3A_84, %dma_wait3A_85] : memref<79x128xi32, #tpu.memory_space<vmem>> -> memref<1x128xi32, #tpu.memory_space<vmem>>
        %dma_wait3A_87 = arith.constant 0 : i32
        %dma_wait3A_88 = tpu.memref_slice %arg3[%add3A_66, %dma_wait3A_87] : memref<2500x128xi32, #tpu.memory_space<hbm>> -> memref<1x128xi32, #tpu.memory_space<hbm>>
        tpu.wait_dma2 semaphore(%run_scoped3A : memref<!tpu.dma_semaphore, #tpu.memory_space<semaphore_mem>>) src(%dma_wait3A_88 : memref<1x128xi32, #tpu.memory_space<hbm>>) dst(%dma_wait3A_86 : memref<1x128xi32, #tpu.memory_space<vmem>>)
        tpu.yield
      }) : () -> ()
      %add3A_67 = arith.constant 78 : i32
      %add3A_68 = arith.addi %add3A_4, %add3A_67 : i32
      "tpu.region"() ({
        %run_scoped3A = tpu.sem_alloc : memref<!tpu.dma_semaphore, #tpu.memory_space<semaphore_mem>>
        %dma_start3A_69 = arith.constant 78 : i32
        %dma_start3A_70 = arith.constant 0 : i32
        %dma_start3A_71 = tpu.memref_slice %arg8[%dma_start3A_69, %dma_start3A_70] : memref<79x128xi32, #tpu.memory_space<vmem>> -> memref<1x128xi32, #tpu.memory_space<vmem>>
        %dma_start3A_72 = arith.constant 0 : i32
        %dma_start3A_73 = tpu.memref_slice %arg4[%add3A_68, %dma_start3A_72] : memref<2500x128xi32, #tpu.memory_space<hbm>> -> memref<1x128xi32, #tpu.memory_space<hbm>>
        %dma_start3A_74 = arith.constant 78 : i32
        %dma_start3A_75 = arith.constant 0 : i32
        %dma_start3A_76 = tpu.memref_slice %arg8[%dma_start3A_74, %dma_start3A_75] : memref<79x128xi32, #tpu.memory_space<vmem>> -> memref<1x128xi32, #tpu.memory_space<vmem>>
        %dma_start3A_77 = arith.constant 0 : i32
        %dma_start3A_78 = tpu.memref_slice %arg4[%add3A_68, %dma_start3A_77] : memref<2500x128xi32, #tpu.memory_space<hbm>> -> memref<1x128xi32, #tpu.memory_space<hbm>>
        tpu.enqueue_dma source(%dma_start3A_78 : memref<1x128xi32, #tpu.memory_space<hbm>>) target(%dma_start3A_76 : memref<1x128xi32, #tpu.memory_space<vmem>>) target_semaphore(%run_scoped3A : memref<!tpu.dma_semaphore, #tpu.memory_space<semaphore_mem>>)
        %dma_wait3A_79 = arith.constant 78 : i32
        %dma_wait3A_80 = arith.constant 0 : i32
        %dma_wait3A_81 = tpu.memref_slice %arg8[%dma_wait3A_79, %dma_wait3A_80] : memref<79x128xi32, #tpu.memory_space<vmem>> -> memref<1x128xi32, #tpu.memory_space<vmem>>
        %dma_wait3A_82 = arith.constant 0 : i32
        %dma_wait3A_83 = tpu.memref_slice %arg4[%add3A_68, %dma_wait3A_82] : memref<2500x128xi32, #tpu.memory_space<hbm>> -> memref<1x128xi32, #tpu.memory_space<hbm>>
        %dma_wait3A_84 = arith.constant 78 : i32
        %dma_wait3A_85 = arith.constant 0 : i32
        %dma_wait3A_86 = tpu.memref_slice %arg8[%dma_wait3A_84, %dma_wait3A_85] : memref<79x128xi32, #tpu.memory_space<vmem>> -> memref<1x128xi32, #tpu.memory_space<vmem>>
        %dma_wait3A_87 = arith.constant 0 : i32
        %dma_wait3A_88 = tpu.memref_slice %arg4[%add3A_68, %dma_wait3A_87] : memref<2500x128xi32, #tpu.memory_space<hbm>> -> memref<1x128xi32, #tpu.memory_space<hbm>>
        tpu.wait_dma2 semaphore(%run_scoped3A : memref<!tpu.dma_semaphore, #tpu.memory_space<semaphore_mem>>) src(%dma_wait3A_88 : memref<1x128xi32, #tpu.memory_space<hbm>>) dst(%dma_wait3A_86 : memref<1x128xi32, #tpu.memory_space<vmem>>)
        tpu.yield
      }) : () -> ()
    } else {
    }
    %mul3A_7 = arith.constant 640 : i32
    %mul3A_8 = arith.muli %arg1, %mul3A_7 : i32
    %mul3A_9 = arith.constant 640 : i32
    %mul3A_10 = arith.muli %arg1, %mul3A_9 : i32
    "tpu.region"() ({
      %run_scoped3A = tpu.sem_alloc : memref<!tpu.dma_semaphore, #tpu.memory_space<semaphore_mem>>
      %dma_start3A_65 = arith.constant 0 : i32
      %dma_start3A_66 = tpu.memref_slice %arg10[%mul3A_10, %dma_start3A_65] : memref<10240x64xf32, #tpu.memory_space<vmem_shared>> -> memref<640x64xf32, #tpu.memory_space<vmem_shared>>
      %dma_start3A_67 = arith.constant 0 : i32
      %dma_start3A_68 = tpu.memref_slice %arg2[%mul3A_8, %dma_start3A_67] : memref<10240x64xf32, #tpu.memory_space<hbm>> -> memref<640x64xf32, #tpu.memory_space<hbm>>
      tpu.enqueue_dma source(%dma_start3A_68 : memref<640x64xf32, #tpu.memory_space<hbm>>) target(%dma_start3A_66 : memref<640x64xf32, #tpu.memory_space<vmem_shared>>) target_semaphore(%run_scoped3A : memref<!tpu.dma_semaphore, #tpu.memory_space<semaphore_mem>>)
      %dma_wait3A_69 = arith.constant 0 : i32
      %dma_wait3A_70 = tpu.memref_slice %arg10[%mul3A_10, %dma_wait3A_69] : memref<10240x64xf32, #tpu.memory_space<vmem_shared>> -> memref<640x64xf32, #tpu.memory_space<vmem_shared>>
      %dma_wait3A_71 = arith.constant 0 : i32
      %dma_wait3A_72 = tpu.memref_slice %arg2[%mul3A_8, %dma_wait3A_71] : memref<10240x64xf32, #tpu.memory_space<hbm>> -> memref<640x64xf32, #tpu.memory_space<hbm>>
      tpu.wait_dma2 semaphore(%run_scoped3A : memref<!tpu.dma_semaphore, #tpu.memory_space<semaphore_mem>>) src(%dma_wait3A_72 : memref<640x64xf32, #tpu.memory_space<hbm>>) dst(%dma_wait3A_70 : memref<640x64xf32, #tpu.memory_space<vmem_shared>>)
      tpu.yield
    }) : () -> ()
    %mul3A_11 = arith.constant 640 : i32
    %mul3A_12 = arith.muli %arg1, %mul3A_11 : i32
    "tpu.region"() ({
      %run_scoped3A = tpu.sem_alloc : memref<!tpu.dma_semaphore, #tpu.memory_space<semaphore_mem>>
      %dma_start3A_65 = arith.constant 0 : i32
      %dma_start3A_66 = tpu.memref_slice %arg11[%mul3A_12, %dma_start3A_65] : memref<10240x64xf32, #tpu.memory_space<vmem_shared>> -> memref<640x64xf32, #tpu.memory_space<vmem_shared>>
      tpu.enqueue_dma source(%arg5 : memref<640x64xf32, #tpu.memory_space<hbm>>) target(%dma_start3A_66 : memref<640x64xf32, #tpu.memory_space<vmem_shared>>) target_semaphore(%run_scoped3A : memref<!tpu.dma_semaphore, #tpu.memory_space<semaphore_mem>>)
      %dma_wait3A_67 = arith.constant 0 : i32
      %dma_wait3A_68 = tpu.memref_slice %arg11[%mul3A_12, %dma_wait3A_67] : memref<10240x64xf32, #tpu.memory_space<vmem_shared>> -> memref<640x64xf32, #tpu.memory_space<vmem_shared>>
      tpu.wait_dma2 semaphore(%run_scoped3A : memref<!tpu.dma_semaphore, #tpu.memory_space<semaphore_mem>>) src(%arg5 : memref<640x64xf32, #tpu.memory_space<hbm>>) dst(%dma_wait3A_68 : memref<640x64xf32, #tpu.memory_space<vmem_shared>>)
      tpu.yield
    }) : () -> ()
    %barrier3A = arith.constant 0 : index
    tpu.barrier barrier_id(%barrier3A)
    %dma_start3A = arith.constant 0 : i32
    %dma_start3A_13 = arith.constant 0 : i32
    %dma_start3A_14 = arith.constant 0 : i32
    %dma_start3A_15 = arith.constant 0 : i32
    %dma_start3A_16 = tpu.memref_slice %arg9[%dma_start3A_13, %dma_start3A_14, %dma_start3A_15] : memref<3x128x64xf32, #tpu.memory_space<vmem>> -> memref<1x128x64xf32, #tpu.memory_space<vmem>>
    %dma_start3A_17 = tpu.memref_squeeze %dma_start3A_16 : memref<1x128x64xf32, #tpu.memory_space<vmem>> -> memref<128x64xf32, #tpu.memory_space<vmem>>
    %dma_start3A_18 = arith.constant 0 : i32
    %dma_start3A_19 = tpu.memref_slice %arg7[%dma_start3A, %dma_start3A_18] : memref<79x128xi32, #tpu.memory_space<vmem>> -> memref<1x128xi32, #tpu.memory_space<vmem>>
    %dma_start3A_20 = tpu.memref_squeeze %dma_start3A_19 : memref<1x128xi32, #tpu.memory_space<vmem>> -> memref<128xi32, #tpu.memory_space<vmem>>
    %dma_start3A_21 = arith.constant 0 : i32
    %dma_start3A_22 = arith.constant 0 : i32
    %dma_start3A_23 = tpu.memref_slice %arg10[%dma_start3A_21, %dma_start3A_22] : memref<10240x64xf32, #tpu.memory_space<vmem_shared>> -> memref<10240x64xf32, #tpu.memory_space<vmem_shared>>
    tpu.enqueue_indirect_dma source(%dma_start3A_23 : memref<10240x64xf32, #tpu.memory_space<vmem_shared>>) target(%dma_start3A_17 : memref<128x64xf32, #tpu.memory_space<vmem>>) offsets(%dma_start3A_20 : memref<128xi32, #tpu.memory_space<vmem>>) semaphore(%arg12 : memref<!tpu.dma_semaphore, #tpu.memory_space<semaphore_mem>>)
    %scan3A = arith.constant 0 : i32
    %scan3A_24 = arith.constant 0 : i32
    %scan3A_25 = arith.constant 26 : i32
    %scan3A_26 = arith.addi %scan3A_24, %scan3A_25 : i32
    %scan3A_27 = arith.constant 1 : i32
    scf.for %scan3A_65 = %scan3A_24 to %scan3A_26 step %scan3A_27  : i32 {
      %mul3A_66 = arith.constant 3 : i32
      %mul3A_67 = arith.muli %scan3A_65, %mul3A_66 : i32
      %add3A_68 = arith.constant 0 : i32
      %add3A_69 = arith.addi %mul3A_67, %add3A_68 : i32
      %dma_wait3A_70 = arith.constant 0 : i32
      %dma_wait3A_71 = arith.constant 0 : i32
      %dma_wait3A_72 = arith.constant 0 : i32
      %dma_wait3A_73 = tpu.memref_slice %arg9[%dma_wait3A_70, %dma_wait3A_71, %dma_wait3A_72] : memref<3x128x64xf32, #tpu.memory_space<vmem>> -> memref<1x128x64xf32, #tpu.memory_space<vmem>>
      %dma_wait3A_74 = tpu.memref_squeeze %dma_wait3A_73 : memref<1x128x64xf32, #tpu.memory_space<vmem>> -> memref<128x64xf32, #tpu.memory_space<vmem>>
      %dma_wait3A_75 = arith.constant 0 : i32
      %dma_wait3A_76 = tpu.memref_slice %arg7[%add3A_69, %dma_wait3A_75] : memref<79x128xi32, #tpu.memory_space<vmem>> -> memref<1x128xi32, #tpu.memory_space<vmem>>
      %dma_wait3A_77 = tpu.memref_squeeze %dma_wait3A_76 : memref<1x128xi32, #tpu.memory_space<vmem>> -> memref<128xi32, #tpu.memory_space<vmem>>
      %dma_wait3A_78 = arith.constant 0 : i32
      %dma_wait3A_79 = arith.constant 0 : i32
      %dma_wait3A_80 = tpu.memref_slice %arg10[%dma_wait3A_78, %dma_wait3A_79] : memref<10240x64xf32, #tpu.memory_space<vmem_shared>> -> memref<10240x64xf32, #tpu.memory_space<vmem_shared>>
      tpu.wait_indirect_dma semaphore(%arg12 : memref<!tpu.dma_semaphore, #tpu.memory_space<semaphore_mem>>) src(%dma_wait3A_80 : memref<10240x64xf32, #tpu.memory_space<vmem_shared>>) dst(%dma_wait3A_74 : memref<128x64xf32, #tpu.memory_space<vmem>>)
      %add3A_81 = arith.constant 1 : i32
      %add3A_82 = arith.addi %add3A_69, %add3A_81 : i32
      %ge3A = arith.constant 3 : i32
      %ge3A_83 = arith.cmpi sge, %add3A_82, %ge3A : i32
      %convert_element_type3A_84 = arith.extui %ge3A_83 : i1 to i32
      %cond3A_85 = arith.constant 0 : i32
      %cond3A_86 = arith.cmpi ne, %convert_element_type3A_84, %cond3A_85 : i32
      scf.if %cond3A_86 {
        %dma_wait3A_185 = arith.constant 1 : i32
        %dma_wait3A_186 = arith.constant 0 : i32
        %dma_wait3A_187 = arith.constant 0 : i32
        %dma_wait3A_188 = arith.constant 0 : i32
        %dma_wait3A_189 = tpu.memref_slice %arg9[%dma_wait3A_185, %dma_wait3A_187, %dma_wait3A_188] : memref<3x128x64xf32, #tpu.memory_space<vmem>> -> memref<1x128x64xf32, #tpu.memory_space<vmem>>
        %dma_wait3A_190 = tpu.memref_squeeze %dma_wait3A_189 : memref<1x128x64xf32, #tpu.memory_space<vmem>> -> memref<128x64xf32, #tpu.memory_space<vmem>>
        %dma_wait3A_191 = arith.constant 0 : i32
        %dma_wait3A_192 = tpu.memref_slice %arg8[%dma_wait3A_186, %dma_wait3A_191] : memref<79x128xi32, #tpu.memory_space<vmem>> -> memref<1x128xi32, #tpu.memory_space<vmem>>
        %dma_wait3A_193 = tpu.memref_squeeze %dma_wait3A_192 : memref<1x128xi32, #tpu.memory_space<vmem>> -> memref<128xi32, #tpu.memory_space<vmem>>
        %dma_wait3A_194 = arith.constant 0 : i32
        %dma_wait3A_195 = arith.constant 0 : i32
        %dma_wait3A_196 = tpu.memref_slice %arg11[%dma_wait3A_194, %dma_wait3A_195] : memref<10240x64xf32, #tpu.memory_space<vmem_shared>> -> memref<10240x64xf32, #tpu.memory_space<vmem_shared>>
        tpu.wait_indirect_dma semaphore(%arg16 : memref<!tpu.dma_semaphore, #tpu.memory_space<semaphore_mem>>) src(%dma_wait3A_190 : memref<128x64xf32, #tpu.memory_space<vmem>>) dst(%dma_wait3A_196 : memref<10240x64xf32, #tpu.memory_space<vmem_shared>>)
      } else {
      }
      %add3A_87 = arith.constant 1 : i32
      %add3A_88 = arith.addi %add3A_69, %add3A_87 : i32
      %lt3A_89 = arith.constant 78 : i32
      %lt3A_90 = arith.cmpi slt, %add3A_88, %lt3A_89 : i32
      %convert_element_type3A_91 = arith.extui %lt3A_90 : i1 to i32
      %cond3A_92 = arith.constant 0 : i32
      %cond3A_93 = arith.cmpi ne, %convert_element_type3A_91, %cond3A_92 : i32
      scf.if %cond3A_93 {
        %add3A_185 = arith.constant 1 : i32
        %add3A_186 = arith.addi %add3A_69, %add3A_185 : i32
        %dma_start3A_187 = arith.constant 1 : i32
        %dma_start3A_188 = arith.constant 0 : i32
        %dma_start3A_189 = arith.constant 0 : i32
        %dma_start3A_190 = tpu.memref_slice %arg9[%dma_start3A_187, %dma_start3A_188, %dma_start3A_189] : memref<3x128x64xf32, #tpu.memory_space<vmem>> -> memref<1x128x64xf32, #tpu.memory_space<vmem>>
        %dma_start3A_191 = tpu.memref_squeeze %dma_start3A_190 : memref<1x128x64xf32, #tpu.memory_space<vmem>> -> memref<128x64xf32, #tpu.memory_space<vmem>>
        %dma_start3A_192 = arith.constant 0 : i32
        %dma_start3A_193 = tpu.memref_slice %arg7[%add3A_186, %dma_start3A_192] : memref<79x128xi32, #tpu.memory_space<vmem>> -> memref<1x128xi32, #tpu.memory_space<vmem>>
        %dma_start3A_194 = tpu.memref_squeeze %dma_start3A_193 : memref<1x128xi32, #tpu.memory_space<vmem>> -> memref<128xi32, #tpu.memory_space<vmem>>
        %dma_start3A_195 = arith.constant 0 : i32
        %dma_start3A_196 = arith.constant 0 : i32
        %dma_start3A_197 = tpu.memref_slice %arg10[%dma_start3A_195, %dma_start3A_196] : memref<10240x64xf32, #tpu.memory_space<vmem_shared>> -> memref<10240x64xf32, #tpu.memory_space<vmem_shared>>
        tpu.enqueue_indirect_dma source(%dma_start3A_197 : memref<10240x64xf32, #tpu.memory_space<vmem_shared>>) target(%dma_start3A_191 : memref<128x64xf32, #tpu.memory_space<vmem>>) offsets(%dma_start3A_194 : memref<128xi32, #tpu.memory_space<vmem>>) semaphore(%arg13 : memref<!tpu.dma_semaphore, #tpu.memory_space<semaphore_mem>>)
      } else {
      }
      %dma_start3A_94 = arith.constant 0 : i32
      %dma_start3A_95 = arith.constant 0 : i32
      %dma_start3A_96 = arith.constant 0 : i32
      %dma_start3A_97 = tpu.memref_slice %arg9[%dma_start3A_94, %dma_start3A_95, %dma_start3A_96] : memref<3x128x64xf32, #tpu.memory_space<vmem>> -> memref<1x128x64xf32, #tpu.memory_space<vmem>>
      %dma_start3A_98 = tpu.memref_squeeze %dma_start3A_97 : memref<1x128x64xf32, #tpu.memory_space<vmem>> -> memref<128x64xf32, #tpu.memory_space<vmem>>
      %dma_start3A_99 = arith.constant 0 : i32
      %dma_start3A_100 = tpu.memref_slice %arg8[%add3A_69, %dma_start3A_99] : memref<79x128xi32, #tpu.memory_space<vmem>> -> memref<1x128xi32, #tpu.memory_space<vmem>>
      %dma_start3A_101 = tpu.memref_squeeze %dma_start3A_100 : memref<1x128xi32, #tpu.memory_space<vmem>> -> memref<128xi32, #tpu.memory_space<vmem>>
      %dma_start3A_102 = arith.constant 0 : i32
      %dma_start3A_103 = arith.constant 0 : i32
      %dma_start3A_104 = tpu.memref_slice %arg11[%dma_start3A_102, %dma_start3A_103] : memref<10240x64xf32, #tpu.memory_space<vmem_shared>> -> memref<10240x64xf32, #tpu.memory_space<vmem_shared>>
      tpu.enqueue_indirect_dma source(%dma_start3A_98 : memref<128x64xf32, #tpu.memory_space<vmem>>) target(%dma_start3A_104 : memref<10240x64xf32, #tpu.memory_space<vmem_shared>>) offsets(%dma_start3A_101 : memref<128xi32, #tpu.memory_space<vmem>>) semaphore(%arg15 : memref<!tpu.dma_semaphore, #tpu.memory_space<semaphore_mem>>) {add = true}
      %mul3A_105 = arith.constant 3 : i32
      %mul3A_106 = arith.muli %scan3A_65, %mul3A_105 : i32
      %add3A_107 = arith.constant 1 : i32
      %add3A_108 = arith.addi %mul3A_106, %add3A_107 : i32
      %dma_wait3A_109 = arith.constant 1 : i32
      %dma_wait3A_110 = arith.constant 0 : i32
      %dma_wait3A_111 = arith.constant 0 : i32
      %dma_wait3A_112 = tpu.memref_slice %arg9[%dma_wait3A_109, %dma_wait3A_110, %dma_wait3A_111] : memref<3x128x64xf32, #tpu.memory_space<vmem>> -> memref<1x128x64xf32, #tpu.memory_space<vmem>>
      %dma_wait3A_113 = tpu.memref_squeeze %dma_wait3A_112 : memref<1x128x64xf32, #tpu.memory_space<vmem>> -> memref<128x64xf32, #tpu.memory_space<vmem>>
      %dma_wait3A_114 = arith.constant 0 : i32
      %dma_wait3A_115 = tpu.memref_slice %arg7[%add3A_108, %dma_wait3A_114] : memref<79x128xi32, #tpu.memory_space<vmem>> -> memref<1x128xi32, #tpu.memory_space<vmem>>
      %dma_wait3A_116 = tpu.memref_squeeze %dma_wait3A_115 : memref<1x128xi32, #tpu.memory_space<vmem>> -> memref<128xi32, #tpu.memory_space<vmem>>
      %dma_wait3A_117 = arith.constant 0 : i32
      %dma_wait3A_118 = arith.constant 0 : i32
      %dma_wait3A_119 = tpu.memref_slice %arg10[%dma_wait3A_117, %dma_wait3A_118] : memref<10240x64xf32, #tpu.memory_space<vmem_shared>> -> memref<10240x64xf32, #tpu.memory_space<vmem_shared>>
      tpu.wait_indirect_dma semaphore(%arg13 : memref<!tpu.dma_semaphore, #tpu.memory_space<semaphore_mem>>) src(%dma_wait3A_119 : memref<10240x64xf32, #tpu.memory_space<vmem_shared>>) dst(%dma_wait3A_113 : memref<128x64xf32, #tpu.memory_space<vmem>>)
      %add3A_120 = arith.constant 1 : i32
      %add3A_121 = arith.addi %add3A_108, %add3A_120 : i32
      %ge3A_122 = arith.constant 3 : i32
      %ge3A_123 = arith.cmpi sge, %add3A_121, %ge3A_122 : i32
      %convert_element_type3A_124 = arith.extui %ge3A_123 : i1 to i32
      %cond3A_125 = arith.constant 0 : i32
      %cond3A_126 = arith.cmpi ne, %convert_element_type3A_124, %cond3A_125 : i32
      scf.if %cond3A_126 {
        %dma_wait3A_185 = arith.constant 2 : i32
        %dma_wait3A_186 = arith.constant 0 : i32
        %dma_wait3A_187 = arith.constant 0 : i32
        %dma_wait3A_188 = arith.constant 0 : i32
        %dma_wait3A_189 = tpu.memref_slice %arg9[%dma_wait3A_185, %dma_wait3A_187, %dma_wait3A_188] : memref<3x128x64xf32, #tpu.memory_space<vmem>> -> memref<1x128x64xf32, #tpu.memory_space<vmem>>
        %dma_wait3A_190 = tpu.memref_squeeze %dma_wait3A_189 : memref<1x128x64xf32, #tpu.memory_space<vmem>> -> memref<128x64xf32, #tpu.memory_space<vmem>>
        %dma_wait3A_191 = arith.constant 0 : i32
        %dma_wait3A_192 = tpu.memref_slice %arg8[%dma_wait3A_186, %dma_wait3A_191] : memref<79x128xi32, #tpu.memory_space<vmem>> -> memref<1x128xi32, #tpu.memory_space<vmem>>
        %dma_wait3A_193 = tpu.memref_squeeze %dma_wait3A_192 : memref<1x128xi32, #tpu.memory_space<vmem>> -> memref<128xi32, #tpu.memory_space<vmem>>
        %dma_wait3A_194 = arith.constant 0 : i32
        %dma_wait3A_195 = arith.constant 0 : i32
        %dma_wait3A_196 = tpu.memref_slice %arg11[%dma_wait3A_194, %dma_wait3A_195] : memref<10240x64xf32, #tpu.memory_space<vmem_shared>> -> memref<10240x64xf32, #tpu.memory_space<vmem_shared>>
        tpu.wait_indirect_dma semaphore(%arg17 : memref<!tpu.dma_semaphore, #tpu.memory_space<semaphore_mem>>) src(%dma_wait3A_190 : memref<128x64xf32, #tpu.memory_space<vmem>>) dst(%dma_wait3A_196 : memref<10240x64xf32, #tpu.memory_space<vmem_shared>>)
      } else {
      }
      %add3A_127 = arith.constant 1 : i32
      %add3A_128 = arith.addi %add3A_108, %add3A_127 : i32
      %lt3A_129 = arith.constant 78 : i32
      %lt3A_130 = arith.cmpi slt, %add3A_128, %lt3A_129 : i32
      %convert_element_type3A_131 = arith.extui %lt3A_130 : i1 to i32
      %cond3A_132 = arith.constant 0 : i32
      %cond3A_133 = arith.cmpi ne, %convert_element_type3A_131, %cond3A_132 : i32
      scf.if %cond3A_133 {
        %add3A_185 = arith.constant 1 : i32
        %add3A_186 = arith.addi %add3A_108, %add3A_185 : i32
        %dma_start3A_187 = arith.constant 2 : i32
        %dma_start3A_188 = arith.constant 0 : i32
        %dma_start3A_189 = arith.constant 0 : i32
        %dma_start3A_190 = tpu.memref_slice %arg9[%dma_start3A_187, %dma_start3A_188, %dma_start3A_189] : memref<3x128x64xf32, #tpu.memory_space<vmem>> -> memref<1x128x64xf32, #tpu.memory_space<vmem>>
        %dma_start3A_191 = tpu.memref_squeeze %dma_start3A_190 : memref<1x128x64xf32, #tpu.memory_space<vmem>> -> memref<128x64xf32, #tpu.memory_space<vmem>>
        %dma_start3A_192 = arith.constant 0 : i32
        %dma_start3A_193 = tpu.memref_slice %arg7[%add3A_186, %dma_start3A_192] : memref<79x128xi32, #tpu.memory_space<vmem>> -> memref<1x128xi32, #tpu.memory_space<vmem>>
        %dma_start3A_194 = tpu.memref_squeeze %dma_start3A_193 : memref<1x128xi32, #tpu.memory_space<vmem>> -> memref<128xi32, #tpu.memory_space<vmem>>
        %dma_start3A_195 = arith.constant 0 : i32
        %dma_start3A_196 = arith.constant 0 : i32
        %dma_start3A_197 = tpu.memref_slice %arg10[%dma_start3A_195, %dma_start3A_196] : memref<10240x64xf32, #tpu.memory_space<vmem_shared>> -> memref<10240x64xf32, #tpu.memory_space<vmem_shared>>
        tpu.enqueue_indirect_dma source(%dma_start3A_197 : memref<10240x64xf32, #tpu.memory_space<vmem_shared>>) target(%dma_start3A_191 : memref<128x64xf32, #tpu.memory_space<vmem>>) offsets(%dma_start3A_194 : memref<128xi32, #tpu.memory_space<vmem>>) semaphore(%arg14 : memref<!tpu.dma_semaphore, #tpu.memory_space<semaphore_mem>>)
      } else {
      }
      %dma_start3A_134 = arith.constant 1 : i32
      %dma_start3A_135 = arith.constant 0 : i32
      %dma_start3A_136 = arith.constant 0 : i32
      %dma_start3A_137 = tpu.memref_slice %arg9[%dma_start3A_134, %dma_start3A_135, %dma_start3A_136] : memref<3x128x64xf32, #tpu.memory_space<vmem>> -> memref<1x128x64xf32, #tpu.memory_space<vmem>>
      %dma_start3A_138 = tpu.memref_squeeze %dma_start3A_137 : memref<1x128x64xf32, #tpu.memory_space<vmem>> -> memref<128x64xf32, #tpu.memory_space<vmem>>
      %dma_start3A_139 = arith.constant 0 : i32
      %dma_start3A_140 = tpu.memref_slice %arg8[%add3A_108, %dma_start3A_139] : memref<79x128xi32, #tpu.memory_space<vmem>> -> memref<1x128xi32, #tpu.memory_space<vmem>>
      %dma_start3A_141 = tpu.memref_squeeze %dma_start3A_140 : memref<1x128xi32, #tpu.memory_space<vmem>> -> memref<128xi32, #tpu.memory_space<vmem>>
      %dma_start3A_142 = arith.constant 0 : i32
      %dma_start3A_143 = arith.constant 0 : i32
      %dma_start3A_144 = tpu.memref_slice %arg11[%dma_start3A_142, %dma_start3A_143] : memref<10240x64xf32, #tpu.memory_space<vmem_shared>> -> memref<10240x64xf32, #tpu.memory_space<vmem_shared>>
      tpu.enqueue_indirect_dma source(%dma_start3A_138 : memref<128x64xf32, #tpu.memory_space<vmem>>) target(%dma_start3A_144 : memref<10240x64xf32, #tpu.memory_space<vmem_shared>>) offsets(%dma_start3A_141 : memref<128xi32, #tpu.memory_space<vmem>>) semaphore(%arg16 : memref<!tpu.dma_semaphore, #tpu.memory_space<semaphore_mem>>) {add = true}
      %mul3A_145 = arith.constant 3 : i32
      %mul3A_146 = arith.muli %scan3A_65, %mul3A_145 : i32
      %add3A_147 = arith.constant 2 : i32
      %add3A_148 = arith.addi %mul3A_146, %add3A_147 : i32
      %dma_wait3A_149 = arith.constant 2 : i32
      %dma_wait3A_150 = arith.constant 0 : i32
      %dma_wait3A_151 = arith.constant 0 : i32
      %dma_wait3A_152 = tpu.memref_slice %arg9[%dma_wait3A_149, %dma_wait3A_150, %dma_wait3A_151] : memref<3x128x64xf32, #tpu.memory_space<vmem>> -> memref<1x128x64xf32, #tpu.memory_space<vmem>>
      %dma_wait3A_153 = tpu.memref_squeeze %dma_wait3A_152 : memref<1x128x64xf32, #tpu.memory_space<vmem>> -> memref<128x64xf32, #tpu.memory_space<vmem>>
      %dma_wait3A_154 = arith.constant 0 : i32
      %dma_wait3A_155 = tpu.memref_slice %arg7[%add3A_148, %dma_wait3A_154] : memref<79x128xi32, #tpu.memory_space<vmem>> -> memref<1x128xi32, #tpu.memory_space<vmem>>
      %dma_wait3A_156 = tpu.memref_squeeze %dma_wait3A_155 : memref<1x128xi32, #tpu.memory_space<vmem>> -> memref<128xi32, #tpu.memory_space<vmem>>
      %dma_wait3A_157 = arith.constant 0 : i32
      %dma_wait3A_158 = arith.constant 0 : i32
      %dma_wait3A_159 = tpu.memref_slice %arg10[%dma_wait3A_157, %dma_wait3A_158] : memref<10240x64xf32, #tpu.memory_space<vmem_shared>> -> memref<10240x64xf32, #tpu.memory_space<vmem_shared>>
      tpu.wait_indirect_dma semaphore(%arg14 : memref<!tpu.dma_semaphore, #tpu.memory_space<semaphore_mem>>) src(%dma_wait3A_159 : memref<10240x64xf32, #tpu.memory_space<vmem_shared>>) dst(%dma_wait3A_153 : memref<128x64xf32, #tpu.memory_space<vmem>>)
      %add3A_160 = arith.constant 1 : i32
      %add3A_161 = arith.addi %add3A_148, %add3A_160 : i32
      %ge3A_162 = arith.constant 3 : i32
      %ge3A_163 = arith.cmpi sge, %add3A_161, %ge3A_162 : i32
      %convert_element_type3A_164 = arith.extui %ge3A_163 : i1 to i32
      %cond3A_165 = arith.constant 0 : i32
      %cond3A_166 = arith.cmpi ne, %convert_element_type3A_164, %cond3A_165 : i32
      scf.if %cond3A_166 {
        %dma_wait3A_185 = arith.constant 0 : i32
        %dma_wait3A_186 = arith.constant 0 : i32
        %dma_wait3A_187 = arith.constant 0 : i32
        %dma_wait3A_188 = arith.constant 0 : i32
        %dma_wait3A_189 = tpu.memref_slice %arg9[%dma_wait3A_185, %dma_wait3A_187, %dma_wait3A_188] : memref<3x128x64xf32, #tpu.memory_space<vmem>> -> memref<1x128x64xf32, #tpu.memory_space<vmem>>
        %dma_wait3A_190 = tpu.memref_squeeze %dma_wait3A_189 : memref<1x128x64xf32, #tpu.memory_space<vmem>> -> memref<128x64xf32, #tpu.memory_space<vmem>>
        %dma_wait3A_191 = arith.constant 0 : i32
        %dma_wait3A_192 = tpu.memref_slice %arg8[%dma_wait3A_186, %dma_wait3A_191] : memref<79x128xi32, #tpu.memory_space<vmem>> -> memref<1x128xi32, #tpu.memory_space<vmem>>
        %dma_wait3A_193 = tpu.memref_squeeze %dma_wait3A_192 : memref<1x128xi32, #tpu.memory_space<vmem>> -> memref<128xi32, #tpu.memory_space<vmem>>
        %dma_wait3A_194 = arith.constant 0 : i32
        %dma_wait3A_195 = arith.constant 0 : i32
        %dma_wait3A_196 = tpu.memref_slice %arg11[%dma_wait3A_194, %dma_wait3A_195] : memref<10240x64xf32, #tpu.memory_space<vmem_shared>> -> memref<10240x64xf32, #tpu.memory_space<vmem_shared>>
        tpu.wait_indirect_dma semaphore(%arg15 : memref<!tpu.dma_semaphore, #tpu.memory_space<semaphore_mem>>) src(%dma_wait3A_190 : memref<128x64xf32, #tpu.memory_space<vmem>>) dst(%dma_wait3A_196 : memref<10240x64xf32, #tpu.memory_space<vmem_shared>>)
      } else {
      }
      %add3A_167 = arith.constant 1 : i32
      %add3A_168 = arith.addi %add3A_148, %add3A_167 : i32
      %lt3A_169 = arith.constant 78 : i32
      %lt3A_170 = arith.cmpi slt, %add3A_168, %lt3A_169 : i32
      %convert_element_type3A_171 = arith.extui %lt3A_170 : i1 to i32
      %cond3A_172 = arith.constant 0 : i32
      %cond3A_173 = arith.cmpi ne, %convert_element_type3A_171, %cond3A_172 : i32
      scf.if %cond3A_173 {
        %add3A_185 = arith.constant 1 : i32
        %add3A_186 = arith.addi %add3A_148, %add3A_185 : i32
        %dma_start3A_187 = arith.constant 0 : i32
        %dma_start3A_188 = arith.constant 0 : i32
        %dma_start3A_189 = arith.constant 0 : i32
        %dma_start3A_190 = tpu.memref_slice %arg9[%dma_start3A_187, %dma_start3A_188, %dma_start3A_189] : memref<3x128x64xf32, #tpu.memory_space<vmem>> -> memref<1x128x64xf32, #tpu.memory_space<vmem>>
        %dma_start3A_191 = tpu.memref_squeeze %dma_start3A_190 : memref<1x128x64xf32, #tpu.memory_space<vmem>> -> memref<128x64xf32, #tpu.memory_space<vmem>>
        %dma_start3A_192 = arith.constant 0 : i32
        %dma_start3A_193 = tpu.memref_slice %arg7[%add3A_186, %dma_start3A_192] : memref<79x128xi32, #tpu.memory_space<vmem>> -> memref<1x128xi32, #tpu.memory_space<vmem>>
        %dma_start3A_194 = tpu.memref_squeeze %dma_start3A_193 : memref<1x128xi32, #tpu.memory_space<vmem>> -> memref<128xi32, #tpu.memory_space<vmem>>
        %dma_start3A_195 = arith.constant 0 : i32
        %dma_start3A_196 = arith.constant 0 : i32
        %dma_start3A_197 = tpu.memref_slice %arg10[%dma_start3A_195, %dma_start3A_196] : memref<10240x64xf32, #tpu.memory_space<vmem_shared>> -> memref<10240x64xf32, #tpu.memory_space<vmem_shared>>
        tpu.enqueue_indirect_dma source(%dma_start3A_197 : memref<10240x64xf32, #tpu.memory_space<vmem_shared>>) target(%dma_start3A_191 : memref<128x64xf32, #tpu.memory_space<vmem>>) offsets(%dma_start3A_194 : memref<128xi32, #tpu.memory_space<vmem>>) semaphore(%arg12 : memref<!tpu.dma_semaphore, #tpu.memory_space<semaphore_mem>>)
      } else {
      }
      %dma_start3A_174 = arith.constant 2 : i32
      %dma_start3A_175 = arith.constant 0 : i32
      %dma_start3A_176 = arith.constant 0 : i32
      %dma_start3A_177 = tpu.memref_slice %arg9[%dma_start3A_174, %dma_start3A_175, %dma_start3A_176] : memref<3x128x64xf32, #tpu.memory_space<vmem>> -> memref<1x128x64xf32, #tpu.memory_space<vmem>>
      %dma_start3A_178 = tpu.memref_squeeze %dma_start3A_177 : memref<1x128x64xf32, #tpu.memory_space<vmem>> -> memref<128x64xf32, #tpu.memory_space<vmem>>
      %dma_start3A_179 = arith.constant 0 : i32
      %dma_start3A_180 = tpu.memref_slice %arg8[%add3A_148, %dma_start3A_179] : memref<79x128xi32, #tpu.memory_space<vmem>> -> memref<1x128xi32, #tpu.memory_space<vmem>>
      %dma_start3A_181 = tpu.memref_squeeze %dma_start3A_180 : memref<1x128xi32, #tpu.memory_space<vmem>> -> memref<128xi32, #tpu.memory_space<vmem>>
      %dma_start3A_182 = arith.constant 0 : i32
      %dma_start3A_183 = arith.constant 0 : i32
      %dma_start3A_184 = tpu.memref_slice %arg11[%dma_start3A_182, %dma_start3A_183] : memref<10240x64xf32, #tpu.memory_space<vmem_shared>> -> memref<10240x64xf32, #tpu.memory_space<vmem_shared>>
      tpu.enqueue_indirect_dma source(%dma_start3A_178 : memref<128x64xf32, #tpu.memory_space<vmem>>) target(%dma_start3A_184 : memref<10240x64xf32, #tpu.memory_space<vmem_shared>>) offsets(%dma_start3A_181 : memref<128xi32, #tpu.memory_space<vmem>>) semaphore(%arg17 : memref<!tpu.dma_semaphore, #tpu.memory_space<semaphore_mem>>) {add = true}
    }
    %scan3A_28 = arith.constant 26 : i32
    %dma_wait3A = arith.constant 1 : i32
    %dma_wait3A_29 = arith.constant 0 : i32
    %dma_wait3A_30 = arith.constant 0 : i32
    %dma_wait3A_31 = arith.constant 0 : i32
    %dma_wait3A_32 = tpu.memref_slice %arg9[%dma_wait3A, %dma_wait3A_30, %dma_wait3A_31] : memref<3x128x64xf32, #tpu.memory_space<vmem>> -> memref<1x128x64xf32, #tpu.memory_space<vmem>>
    %dma_wait3A_33 = tpu.memref_squeeze %dma_wait3A_32 : memref<1x128x64xf32, #tpu.memory_space<vmem>> -> memref<128x64xf32, #tpu.memory_space<vmem>>
    %dma_wait3A_34 = arith.constant 0 : i32
    %dma_wait3A_35 = tpu.memref_slice %arg8[%dma_wait3A_29, %dma_wait3A_34] : memref<79x128xi32, #tpu.memory_space<vmem>> -> memref<1x128xi32, #tpu.memory_space<vmem>>
    %dma_wait3A_36 = tpu.memref_squeeze %dma_wait3A_35 : memref<1x128xi32, #tpu.memory_space<vmem>> -> memref<128xi32, #tpu.memory_space<vmem>>
    %dma_wait3A_37 = arith.constant 0 : i32
    %dma_wait3A_38 = arith.constant 0 : i32
    %dma_wait3A_39 = tpu.memref_slice %arg11[%dma_wait3A_37, %dma_wait3A_38] : memref<10240x64xf32, #tpu.memory_space<vmem_shared>> -> memref<10240x64xf32, #tpu.memory_space<vmem_shared>>
    tpu.wait_indirect_dma semaphore(%arg16 : memref<!tpu.dma_semaphore, #tpu.memory_space<semaphore_mem>>) src(%dma_wait3A_33 : memref<128x64xf32, #tpu.memory_space<vmem>>) dst(%dma_wait3A_39 : memref<10240x64xf32, #tpu.memory_space<vmem_shared>>)
    %dma_wait3A_40 = arith.constant 2 : i32
    %dma_wait3A_41 = arith.constant 0 : i32
    %dma_wait3A_42 = arith.constant 0 : i32
    %dma_wait3A_43 = arith.constant 0 : i32
    %dma_wait3A_44 = tpu.memref_slice %arg9[%dma_wait3A_40, %dma_wait3A_42, %dma_wait3A_43] : memref<3x128x64xf32, #tpu.memory_space<vmem>> -> memref<1x128x64xf32, #tpu.memory_space<vmem>>
    %dma_wait3A_45 = tpu.memref_squeeze %dma_wait3A_44 : memref<1x128x64xf32, #tpu.memory_space<vmem>> -> memref<128x64xf32, #tpu.memory_space<vmem>>
    %dma_wait3A_46 = arith.constant 0 : i32
    %dma_wait3A_47 = tpu.memref_slice %arg8[%dma_wait3A_41, %dma_wait3A_46] : memref<79x128xi32, #tpu.memory_space<vmem>> -> memref<1x128xi32, #tpu.memory_space<vmem>>
    %dma_wait3A_48 = tpu.memref_squeeze %dma_wait3A_47 : memref<1x128xi32, #tpu.memory_space<vmem>> -> memref<128xi32, #tpu.memory_space<vmem>>
    %dma_wait3A_49 = arith.constant 0 : i32
    %dma_wait3A_50 = arith.constant 0 : i32
    %dma_wait3A_51 = tpu.memref_slice %arg11[%dma_wait3A_49, %dma_wait3A_50] : memref<10240x64xf32, #tpu.memory_space<vmem_shared>> -> memref<10240x64xf32, #tpu.memory_space<vmem_shared>>
    tpu.wait_indirect_dma semaphore(%arg17 : memref<!tpu.dma_semaphore, #tpu.memory_space<semaphore_mem>>) src(%dma_wait3A_45 : memref<128x64xf32, #tpu.memory_space<vmem>>) dst(%dma_wait3A_51 : memref<10240x64xf32, #tpu.memory_space<vmem_shared>>)
    %lt3A_52 = arith.constant 4 : i32
    %lt3A_53 = arith.cmpi slt, %add3A, %lt3A_52 : i32
    %convert_element_type3A_54 = arith.extui %lt3A_53 : i1 to i32
    %cond3A_55 = arith.constant 0 : i32
    %cond3A_56 = arith.cmpi ne, %convert_element_type3A_54, %cond3A_55 : i32
    scf.if %cond3A_56 {
      %dma_start3A_65 = arith.constant 78 : i32
      %dma_start3A_66 = arith.constant 0 : i32
      %dma_start3A_67 = arith.constant 0 : i32
      %dma_start3A_68 = arith.constant 0 : i32
      %dma_start3A_69 = tpu.memref_slice %arg9[%dma_start3A_66, %dma_start3A_67, %dma_start3A_68] : memref<3x128x64xf32, #tpu.memory_space<vmem>> -> memref<1x128x64xf32, #tpu.memory_space<vmem>>
      %dma_start3A_70 = tpu.memref_squeeze %dma_start3A_69 : memref<1x128x64xf32, #tpu.memory_space<vmem>> -> memref<128x64xf32, #tpu.memory_space<vmem>>
      %dma_start3A_71 = arith.constant 0 : i32
      %dma_start3A_72 = tpu.memref_slice %arg7[%dma_start3A_65, %dma_start3A_71] : memref<79x128xi32, #tpu.memory_space<vmem>> -> memref<1x128xi32, #tpu.memory_space<vmem>>
      %dma_start3A_73 = tpu.memref_squeeze %dma_start3A_72 : memref<1x128xi32, #tpu.memory_space<vmem>> -> memref<128xi32, #tpu.memory_space<vmem>>
      %dma_start3A_74 = arith.constant 0 : i32
      %dma_start3A_75 = arith.constant 0 : i32
      %dma_start3A_76 = tpu.memref_slice %arg10[%dma_start3A_74, %dma_start3A_75] : memref<10240x64xf32, #tpu.memory_space<vmem_shared>> -> memref<10240x64xf32, #tpu.memory_space<vmem_shared>>
      tpu.enqueue_indirect_dma source(%dma_start3A_76 : memref<10240x64xf32, #tpu.memory_space<vmem_shared>>) target(%dma_start3A_70 : memref<128x64xf32, #tpu.memory_space<vmem>>) offsets(%dma_start3A_73 : memref<128xi32, #tpu.memory_space<vmem>>) semaphore(%arg12 : memref<!tpu.dma_semaphore, #tpu.memory_space<semaphore_mem>>)
      %dma_wait3A_77 = arith.constant 78 : i32
      %dma_wait3A_78 = arith.constant 0 : i32
      %dma_wait3A_79 = arith.constant 0 : i32
      %dma_wait3A_80 = arith.constant 0 : i32
      %dma_wait3A_81 = tpu.memref_slice %arg9[%dma_wait3A_78, %dma_wait3A_79, %dma_wait3A_80] : memref<3x128x64xf32, #tpu.memory_space<vmem>> -> memref<1x128x64xf32, #tpu.memory_space<vmem>>
      %dma_wait3A_82 = tpu.memref_squeeze %dma_wait3A_81 : memref<1x128x64xf32, #tpu.memory_space<vmem>> -> memref<128x64xf32, #tpu.memory_space<vmem>>
      %dma_wait3A_83 = arith.constant 0 : i32
      %dma_wait3A_84 = tpu.memref_slice %arg7[%dma_wait3A_77, %dma_wait3A_83] : memref<79x128xi32, #tpu.memory_space<vmem>> -> memref<1x128xi32, #tpu.memory_space<vmem>>
      %dma_wait3A_85 = tpu.memref_squeeze %dma_wait3A_84 : memref<1x128xi32, #tpu.memory_space<vmem>> -> memref<128xi32, #tpu.memory_space<vmem>>
      %dma_wait3A_86 = arith.constant 0 : i32
      %dma_wait3A_87 = arith.constant 0 : i32
      %dma_wait3A_88 = tpu.memref_slice %arg10[%dma_wait3A_86, %dma_wait3A_87] : memref<10240x64xf32, #tpu.memory_space<vmem_shared>> -> memref<10240x64xf32, #tpu.memory_space<vmem_shared>>
      tpu.wait_indirect_dma semaphore(%arg12 : memref<!tpu.dma_semaphore, #tpu.memory_space<semaphore_mem>>) src(%dma_wait3A_88 : memref<10240x64xf32, #tpu.memory_space<vmem_shared>>) dst(%dma_wait3A_82 : memref<128x64xf32, #tpu.memory_space<vmem>>)
      %run_scoped3A = arith.constant 0 : i32
      %run_scoped3A_89 = arith.constant 78 : i32
      "tpu.region"() ({
        %run_scoped3A_90 = tpu.sem_alloc : memref<!tpu.dma_semaphore, #tpu.memory_space<semaphore_mem>>
        %dma_start3A_91 = arith.constant 0 : i32
        %dma_start3A_92 = arith.constant 0 : i32
        %dma_start3A_93 = tpu.memref_slice %arg9[%run_scoped3A, %dma_start3A_91, %dma_start3A_92] : memref<3x128x64xf32, #tpu.memory_space<vmem>> -> memref<1x128x64xf32, #tpu.memory_space<vmem>>
        %dma_start3A_94 = tpu.memref_squeeze %dma_start3A_93 : memref<1x128x64xf32, #tpu.memory_space<vmem>> -> memref<128x64xf32, #tpu.memory_space<vmem>>
        %dma_start3A_95 = arith.constant 0 : i32
        %dma_start3A_96 = tpu.memref_slice %arg8[%run_scoped3A_89, %dma_start3A_95] : memref<79x128xi32, #tpu.memory_space<vmem>> -> memref<1x128xi32, #tpu.memory_space<vmem>>
        %dma_start3A_97 = tpu.memref_squeeze %dma_start3A_96 : memref<1x128xi32, #tpu.memory_space<vmem>> -> memref<128xi32, #tpu.memory_space<vmem>>
        %dma_start3A_98 = arith.constant 0 : i32
        %dma_start3A_99 = arith.constant 0 : i32
        %dma_start3A_100 = tpu.memref_slice %arg11[%dma_start3A_98, %dma_start3A_99] : memref<10240x64xf32, #tpu.memory_space<vmem_shared>> -> memref<10240x64xf32, #tpu.memory_space<vmem_shared>>
        tpu.enqueue_indirect_dma source(%dma_start3A_94 : memref<128x64xf32, #tpu.memory_space<vmem>>) target(%dma_start3A_100 : memref<10240x64xf32, #tpu.memory_space<vmem_shared>>) offsets(%dma_start3A_97 : memref<128xi32, #tpu.memory_space<vmem>>) semaphore(%run_scoped3A_90 : memref<!tpu.dma_semaphore, #tpu.memory_space<semaphore_mem>>) {add = true}
        %dma_wait3A_101 = arith.constant 0 : i32
        %dma_wait3A_102 = arith.constant 0 : i32
        %dma_wait3A_103 = tpu.memref_slice %arg9[%run_scoped3A, %dma_wait3A_101, %dma_wait3A_102] : memref<3x128x64xf32, #tpu.memory_space<vmem>> -> memref<1x128x64xf32, #tpu.memory_space<vmem>>
        %dma_wait3A_104 = tpu.memref_squeeze %dma_wait3A_103 : memref<1x128x64xf32, #tpu.memory_space<vmem>> -> memref<128x64xf32, #tpu.memory_space<vmem>>
        %dma_wait3A_105 = arith.constant 0 : i32
        %dma_wait3A_106 = tpu.memref_slice %arg8[%run_scoped3A_89, %dma_wait3A_105] : memref<79x128xi32, #tpu.memory_space<vmem>> -> memref<1x128xi32, #tpu.memory_space<vmem>>
        %dma_wait3A_107 = tpu.memref_squeeze %dma_wait3A_106 : memref<1x128xi32, #tpu.memory_space<vmem>> -> memref<128xi32, #tpu.memory_space<vmem>>
        %dma_wait3A_108 = arith.constant 0 : i32
        %dma_wait3A_109 = arith.constant 0 : i32
        %dma_wait3A_110 = tpu.memref_slice %arg11[%dma_wait3A_108, %dma_wait3A_109] : memref<10240x64xf32, #tpu.memory_space<vmem_shared>> -> memref<10240x64xf32, #tpu.memory_space<vmem_shared>>
        tpu.wait_indirect_dma semaphore(%run_scoped3A_90 : memref<!tpu.dma_semaphore, #tpu.memory_space<semaphore_mem>>) src(%dma_wait3A_104 : memref<128x64xf32, #tpu.memory_space<vmem>>) dst(%dma_wait3A_110 : memref<10240x64xf32, #tpu.memory_space<vmem_shared>>)
        tpu.yield
      }) : () -> ()
    } else {
    }
    %barrier3A_57 = arith.constant 0 : index
    tpu.barrier barrier_id(%barrier3A_57)
    %mul3A_58 = arith.constant 640 : i32
    %mul3A_59 = arith.muli %arg1, %mul3A_58 : i32
    %mul3A_60 = arith.constant 10240 : i32
    %mul3A_61 = arith.muli %arg0, %mul3A_60 : i32
    %mul3A_62 = arith.constant 640 : i32
    %mul3A_63 = arith.muli %arg1, %mul3A_62 : i32
    %add3A_64 = arith.addi %mul3A_61, %mul3A_63 : i32
    "tpu.region"() ({
      %run_scoped3A = tpu.sem_alloc : memref<!tpu.dma_semaphore, #tpu.memory_space<semaphore_mem>>
      %dma_start3A_65 = arith.constant 0 : i32
      %dma_start3A_66 = tpu.memref_slice %arg6[%add3A_64, %dma_start3A_65] : memref<20480x64xf32, #tpu.memory_space<hbm>> -> memref<640x64xf32, #tpu.memory_space<hbm>>
      %dma_start3A_67 = arith.constant 0 : i32
      %dma_start3A_68 = tpu.memref_slice %arg11[%mul3A_59, %dma_start3A_67] : memref<10240x64xf32, #tpu.memory_space<vmem_shared>> -> memref<640x64xf32, #tpu.memory_space<vmem_shared>>
      tpu.enqueue_dma source(%dma_start3A_68 : memref<640x64xf32, #tpu.memory_space<vmem_shared>>) target(%dma_start3A_66 : memref<640x64xf32, #tpu.memory_space<hbm>>) target_semaphore(%run_scoped3A : memref<!tpu.dma_semaphore, #tpu.memory_space<semaphore_mem>>)
      %dma_wait3A_69 = arith.constant 0 : i32
      %dma_wait3A_70 = tpu.memref_slice %arg6[%add3A_64, %dma_wait3A_69] : memref<20480x64xf32, #tpu.memory_space<hbm>> -> memref<640x64xf32, #tpu.memory_space<hbm>>
      %dma_wait3A_71 = arith.constant 0 : i32
      %dma_wait3A_72 = tpu.memref_slice %arg11[%mul3A_59, %dma_wait3A_71] : memref<10240x64xf32, #tpu.memory_space<vmem_shared>> -> memref<640x64xf32, #tpu.memory_space<vmem_shared>>
      tpu.wait_dma2 semaphore(%run_scoped3A : memref<!tpu.dma_semaphore, #tpu.memory_space<semaphore_mem>>) src(%dma_wait3A_72 : memref<640x64xf32, #tpu.memory_space<vmem_shared>>) dst(%dma_wait3A_70 : memref<640x64xf32, #tpu.memory_space<hbm>>)
      tpu.yield
    }) : () -> ()
    return
  }
}

#map = affine_map<(d0, d1) -> (0, 0)>
module attributes {stable_mosaic.version = 14 : i64} {
  func.func @_deg_count(%arg0: i32, %arg1: i32, %arg2: memref<2500x128xi32, #tpu.memory_space<hbm>>, %arg3: memref<128x16xf32, #tpu.memory_space<hbm>>, %arg4: memref<640x16xf32, #tpu.memory_space<hbm>>, %arg5: memref<20480x16xf32, #tpu.memory_space<hbm>>, %arg6: memref<79x128xi32, #tpu.memory_space<vmem>>, %arg7: memref<128x16xf32, #tpu.memory_space<vmem>>, %arg8: memref<10240x16xf32, #tpu.memory_space<vmem_shared>>, %arg9: memref<!tpu.dma_semaphore, #tpu.memory_space<semaphore_mem>>) attributes {dimension_semantics = [#tpu.dimension_semantics<core_parallel>, #tpu.dimension_semantics<subcore_parallel>], iteration_bounds = array<i64: 2, 16>, scalar_prefetch = 0 : i64, scratch_operands = 4 : i64, tpu.core_type = #tpu.core_type<sc_vector_subcore>, window_params = [{transform_indices = #map}, {transform_indices = #map}, {transform_indices = #map}, {transform_indices = #map}]} {
    %mul3A = arith.constant 16 : i32
    %mul3A_0 = arith.muli %arg0, %mul3A : i32
    %add3A = arith.addi %mul3A_0, %arg1 : i32
    %mul3A_1 = arith.constant 78 : i32
    %mul3A_2 = arith.muli %mul3A_1, %add3A : i32
    %min3A = arith.constant 4 : i32
    %min3A_3 = arith.minsi %add3A, %min3A : i32
    %add3A_4 = arith.addi %mul3A_2, %min3A_3 : i32
    %lt3A = arith.constant 4 : i32
    %lt3A_5 = arith.cmpi slt, %add3A, %lt3A : i32
    %convert_element_type3A = arith.extui %lt3A_5 : i1 to i32
    %add3A_6 = arith.constant 78 : i32
    %add3A_7 = arith.addi %add3A_6, %convert_element_type3A : i32
    "tpu.region"() ({
      %run_scoped3A = tpu.sem_alloc : memref<!tpu.dma_semaphore, #tpu.memory_space<semaphore_mem>>
      %dma_start3A = arith.constant 0 : i32
      %dma_start3A_41 = arith.constant 0 : i32
      %dma_start3A_42 = tpu.memref_slice %arg6[%dma_start3A, %dma_start3A_41] : memref<79x128xi32, #tpu.memory_space<vmem>> -> memref<78x128xi32, #tpu.memory_space<vmem>>
      %dma_start3A_43 = arith.constant 0 : i32
      %dma_start3A_44 = tpu.memref_slice %arg2[%add3A_4, %dma_start3A_43] : memref<2500x128xi32, #tpu.memory_space<hbm>> -> memref<78x128xi32, #tpu.memory_space<hbm>>
      %dma_start3A_45 = arith.constant 0 : i32
      %dma_start3A_46 = arith.constant 0 : i32
      %dma_start3A_47 = tpu.memref_slice %arg6[%dma_start3A_45, %dma_start3A_46] : memref<79x128xi32, #tpu.memory_space<vmem>> -> memref<78x128xi32, #tpu.memory_space<vmem>>
      %dma_start3A_48 = arith.constant 0 : i32
      %dma_start3A_49 = tpu.memref_slice %arg2[%add3A_4, %dma_start3A_48] : memref<2500x128xi32, #tpu.memory_space<hbm>> -> memref<78x128xi32, #tpu.memory_space<hbm>>
      tpu.enqueue_dma source(%dma_start3A_49 : memref<78x128xi32, #tpu.memory_space<hbm>>) target(%dma_start3A_47 : memref<78x128xi32, #tpu.memory_space<vmem>>) target_semaphore(%run_scoped3A : memref<!tpu.dma_semaphore, #tpu.memory_space<semaphore_mem>>)
      %dma_wait3A = arith.constant 0 : i32
      %dma_wait3A_50 = arith.constant 0 : i32
      %dma_wait3A_51 = tpu.memref_slice %arg6[%dma_wait3A, %dma_wait3A_50] : memref<79x128xi32, #tpu.memory_space<vmem>> -> memref<78x128xi32, #tpu.memory_space<vmem>>
      %dma_wait3A_52 = arith.constant 0 : i32
      %dma_wait3A_53 = tpu.memref_slice %arg2[%add3A_4, %dma_wait3A_52] : memref<2500x128xi32, #tpu.memory_space<hbm>> -> memref<78x128xi32, #tpu.memory_space<hbm>>
      %dma_wait3A_54 = arith.constant 0 : i32
      %dma_wait3A_55 = arith.constant 0 : i32
      %dma_wait3A_56 = tpu.memref_slice %arg6[%dma_wait3A_54, %dma_wait3A_55] : memref<79x128xi32, #tpu.memory_space<vmem>> -> memref<78x128xi32, #tpu.memory_space<vmem>>
      %dma_wait3A_57 = arith.constant 0 : i32
      %dma_wait3A_58 = tpu.memref_slice %arg2[%add3A_4, %dma_wait3A_57] : memref<2500x128xi32, #tpu.memory_space<hbm>> -> memref<78x128xi32, #tpu.memory_space<hbm>>
      tpu.wait_dma2 semaphore(%run_scoped3A : memref<!tpu.dma_semaphore, #tpu.memory_space<semaphore_mem>>) src(%dma_wait3A_58 : memref<78x128xi32, #tpu.memory_space<hbm>>) dst(%dma_wait3A_56 : memref<78x128xi32, #tpu.memory_space<vmem>>)
      tpu.yield
    }) : () -> ()
    %lt3A_8 = arith.constant 4 : i32
    %lt3A_9 = arith.cmpi slt, %add3A, %lt3A_8 : i32
    %convert_element_type3A_10 = arith.extui %lt3A_9 : i1 to i32
    %cond3A = arith.constant 0 : i32
    %cond3A_11 = arith.cmpi ne, %convert_element_type3A_10, %cond3A : i32
    scf.if %cond3A_11 {
      %add3A_41 = arith.constant 78 : i32
      %add3A_42 = arith.addi %add3A_4, %add3A_41 : i32
      "tpu.region"() ({
        %run_scoped3A = tpu.sem_alloc : memref<!tpu.dma_semaphore, #tpu.memory_space<semaphore_mem>>
        %dma_start3A = arith.constant 78 : i32
        %dma_start3A_43 = arith.constant 0 : i32
        %dma_start3A_44 = tpu.memref_slice %arg6[%dma_start3A, %dma_start3A_43] : memref<79x128xi32, #tpu.memory_space<vmem>> -> memref<1x128xi32, #tpu.memory_space<vmem>>
        %dma_start3A_45 = arith.constant 0 : i32
        %dma_start3A_46 = tpu.memref_slice %arg2[%add3A_42, %dma_start3A_45] : memref<2500x128xi32, #tpu.memory_space<hbm>> -> memref<1x128xi32, #tpu.memory_space<hbm>>
        %dma_start3A_47 = arith.constant 78 : i32
        %dma_start3A_48 = arith.constant 0 : i32
        %dma_start3A_49 = tpu.memref_slice %arg6[%dma_start3A_47, %dma_start3A_48] : memref<79x128xi32, #tpu.memory_space<vmem>> -> memref<1x128xi32, #tpu.memory_space<vmem>>
        %dma_start3A_50 = arith.constant 0 : i32
        %dma_start3A_51 = tpu.memref_slice %arg2[%add3A_42, %dma_start3A_50] : memref<2500x128xi32, #tpu.memory_space<hbm>> -> memref<1x128xi32, #tpu.memory_space<hbm>>
        tpu.enqueue_dma source(%dma_start3A_51 : memref<1x128xi32, #tpu.memory_space<hbm>>) target(%dma_start3A_49 : memref<1x128xi32, #tpu.memory_space<vmem>>) target_semaphore(%run_scoped3A : memref<!tpu.dma_semaphore, #tpu.memory_space<semaphore_mem>>)
        %dma_wait3A = arith.constant 78 : i32
        %dma_wait3A_52 = arith.constant 0 : i32
        %dma_wait3A_53 = tpu.memref_slice %arg6[%dma_wait3A, %dma_wait3A_52] : memref<79x128xi32, #tpu.memory_space<vmem>> -> memref<1x128xi32, #tpu.memory_space<vmem>>
        %dma_wait3A_54 = arith.constant 0 : i32
        %dma_wait3A_55 = tpu.memref_slice %arg2[%add3A_42, %dma_wait3A_54] : memref<2500x128xi32, #tpu.memory_space<hbm>> -> memref<1x128xi32, #tpu.memory_space<hbm>>
        %dma_wait3A_56 = arith.constant 78 : i32
        %dma_wait3A_57 = arith.constant 0 : i32
        %dma_wait3A_58 = tpu.memref_slice %arg6[%dma_wait3A_56, %dma_wait3A_57] : memref<79x128xi32, #tpu.memory_space<vmem>> -> memref<1x128xi32, #tpu.memory_space<vmem>>
        %dma_wait3A_59 = arith.constant 0 : i32
        %dma_wait3A_60 = tpu.memref_slice %arg2[%add3A_42, %dma_wait3A_59] : memref<2500x128xi32, #tpu.memory_space<hbm>> -> memref<1x128xi32, #tpu.memory_space<hbm>>
        tpu.wait_dma2 semaphore(%run_scoped3A : memref<!tpu.dma_semaphore, #tpu.memory_space<semaphore_mem>>) src(%dma_wait3A_60 : memref<1x128xi32, #tpu.memory_space<hbm>>) dst(%dma_wait3A_58 : memref<1x128xi32, #tpu.memory_space<vmem>>)
        tpu.yield
      }) : () -> ()
    } else {
    }
    "tpu.region"() ({
      %run_scoped3A = tpu.sem_alloc : memref<!tpu.dma_semaphore, #tpu.memory_space<semaphore_mem>>
      tpu.enqueue_dma source(%arg3 : memref<128x16xf32, #tpu.memory_space<hbm>>) target(%arg7 : memref<128x16xf32, #tpu.memory_space<vmem>>) target_semaphore(%run_scoped3A : memref<!tpu.dma_semaphore, #tpu.memory_space<semaphore_mem>>)
      tpu.wait_dma2 semaphore(%run_scoped3A : memref<!tpu.dma_semaphore, #tpu.memory_space<semaphore_mem>>) src(%arg3 : memref<128x16xf32, #tpu.memory_space<hbm>>) dst(%arg7 : memref<128x16xf32, #tpu.memory_space<vmem>>)
      tpu.yield
    }) : () -> ()
    %mul3A_12 = arith.constant 640 : i32
    %mul3A_13 = arith.muli %arg1, %mul3A_12 : i32
    "tpu.region"() ({
      %run_scoped3A = tpu.sem_alloc : memref<!tpu.dma_semaphore, #tpu.memory_space<semaphore_mem>>
      %dma_start3A = arith.constant 0 : i32
      %dma_start3A_41 = tpu.memref_slice %arg8[%mul3A_13, %dma_start3A] : memref<10240x16xf32, #tpu.memory_space<vmem_shared>> -> memref<640x16xf32, #tpu.memory_space<vmem_shared>>
      tpu.enqueue_dma source(%arg4 : memref<640x16xf32, #tpu.memory_space<hbm>>) target(%dma_start3A_41 : memref<640x16xf32, #tpu.memory_space<vmem_shared>>) target_semaphore(%run_scoped3A : memref<!tpu.dma_semaphore, #tpu.memory_space<semaphore_mem>>)
      %dma_wait3A = arith.constant 0 : i32
      %dma_wait3A_42 = tpu.memref_slice %arg8[%mul3A_13, %dma_wait3A] : memref<10240x16xf32, #tpu.memory_space<vmem_shared>> -> memref<640x16xf32, #tpu.memory_space<vmem_shared>>
      tpu.wait_dma2 semaphore(%run_scoped3A : memref<!tpu.dma_semaphore, #tpu.memory_space<semaphore_mem>>) src(%arg4 : memref<640x16xf32, #tpu.memory_space<hbm>>) dst(%dma_wait3A_42 : memref<640x16xf32, #tpu.memory_space<vmem_shared>>)
      tpu.yield
    }) : () -> ()
    %barrier3A = arith.constant 0 : index
    tpu.barrier barrier_id(%barrier3A)
    %while3A = arith.constant 0 : i32
    %while3A_14 = arith.constant 0 : i32
    %while3A_15 = arith.subi %add3A_7, %while3A_14 : i32
    %while3A_16 = arith.addi %while3A_14, %while3A_15 : i32
    %while3A_17 = arith.constant 1 : i32
    %while3A_18 = arith.divsi %while3A_15, %while3A_17 : i32
    %while3A_19 = arith.muli %while3A_18, %while3A_17 : i32
    %while3A_20 = arith.addi %while3A_14, %while3A_19 : i32
    %while3A_21 = arith.constant 1 : i32
    scf.for %while3A_41 = %while3A_14 to %while3A_20 step %while3A_21  : i32 {
      %dma_start3A = arith.constant 0 : i32
      %dma_start3A_42 = tpu.memref_slice %arg6[%while3A_41, %dma_start3A] : memref<79x128xi32, #tpu.memory_space<vmem>> -> memref<1x128xi32, #tpu.memory_space<vmem>>
      %dma_start3A_43 = tpu.memref_squeeze %dma_start3A_42 : memref<1x128xi32, #tpu.memory_space<vmem>> -> memref<128xi32, #tpu.memory_space<vmem>>
      %dma_start3A_44 = arith.constant 0 : i32
      %dma_start3A_45 = arith.constant 0 : i32
      %dma_start3A_46 = tpu.memref_slice %arg8[%dma_start3A_44, %dma_start3A_45] : memref<10240x16xf32, #tpu.memory_space<vmem_shared>> -> memref<10240x16xf32, #tpu.memory_space<vmem_shared>>
      tpu.enqueue_indirect_dma source(%arg7 : memref<128x16xf32, #tpu.memory_space<vmem>>) target(%dma_start3A_46 : memref<10240x16xf32, #tpu.memory_space<vmem_shared>>) offsets(%dma_start3A_43 : memref<128xi32, #tpu.memory_space<vmem>>) semaphore(%arg9 : memref<!tpu.dma_semaphore, #tpu.memory_space<semaphore_mem>>) {add = true}
    }
    %while3A_22 = arith.constant 1 : i32
    scf.for %while3A_41 = %while3A_20 to %while3A_16 step %while3A_22  : i32 {
      %dma_start3A = arith.constant 0 : i32
      %dma_start3A_42 = tpu.memref_slice %arg6[%while3A_41, %dma_start3A] : memref<79x128xi32, #tpu.memory_space<vmem>> -> memref<1x128xi32, #tpu.memory_space<vmem>>
      %dma_start3A_43 = tpu.memref_squeeze %dma_start3A_42 : memref<1x128xi32, #tpu.memory_space<vmem>> -> memref<128xi32, #tpu.memory_space<vmem>>
      %dma_start3A_44 = arith.constant 0 : i32
      %dma_start3A_45 = arith.constant 0 : i32
      %dma_start3A_46 = tpu.memref_slice %arg8[%dma_start3A_44, %dma_start3A_45] : memref<10240x16xf32, #tpu.memory_space<vmem_shared>> -> memref<10240x16xf32, #tpu.memory_space<vmem_shared>>
      tpu.enqueue_indirect_dma source(%arg7 : memref<128x16xf32, #tpu.memory_space<vmem>>) target(%dma_start3A_46 : memref<10240x16xf32, #tpu.memory_space<vmem_shared>>) offsets(%dma_start3A_43 : memref<128xi32, #tpu.memory_space<vmem>>) semaphore(%arg9 : memref<!tpu.dma_semaphore, #tpu.memory_space<semaphore_mem>>) {add = true}
    }
    %while3A_23 = arith.constant 0 : i32
    %while3A_24 = arith.constant 0 : i32
    %while3A_25 = arith.subi %add3A_7, %while3A_24 : i32
    %while3A_26 = arith.addi %while3A_24, %while3A_25 : i32
    %while3A_27 = arith.constant 1 : i32
    %while3A_28 = arith.divsi %while3A_25, %while3A_27 : i32
    %while3A_29 = arith.muli %while3A_28, %while3A_27 : i32
    %while3A_30 = arith.addi %while3A_24, %while3A_29 : i32
    %while3A_31 = arith.constant 1 : i32
    scf.for %while3A_41 = %while3A_24 to %while3A_30 step %while3A_31  : i32 {
      %dma_wait3A = arith.constant 0 : i32
      %dma_wait3A_42 = arith.constant 0 : i32
      %dma_wait3A_43 = tpu.memref_slice %arg6[%dma_wait3A, %dma_wait3A_42] : memref<79x128xi32, #tpu.memory_space<vmem>> -> memref<1x128xi32, #tpu.memory_space<vmem>>
      %dma_wait3A_44 = tpu.memref_squeeze %dma_wait3A_43 : memref<1x128xi32, #tpu.memory_space<vmem>> -> memref<128xi32, #tpu.memory_space<vmem>>
      %dma_wait3A_45 = arith.constant 0 : i32
      %dma_wait3A_46 = arith.constant 0 : i32
      %dma_wait3A_47 = tpu.memref_slice %arg8[%dma_wait3A_45, %dma_wait3A_46] : memref<10240x16xf32, #tpu.memory_space<vmem_shared>> -> memref<10240x16xf32, #tpu.memory_space<vmem_shared>>
      tpu.wait_indirect_dma semaphore(%arg9 : memref<!tpu.dma_semaphore, #tpu.memory_space<semaphore_mem>>) src(%arg7 : memref<128x16xf32, #tpu.memory_space<vmem>>) dst(%dma_wait3A_47 : memref<10240x16xf32, #tpu.memory_space<vmem_shared>>)
    }
    %while3A_32 = arith.constant 1 : i32
    scf.for %while3A_41 = %while3A_30 to %while3A_26 step %while3A_32  : i32 {
      %dma_wait3A = arith.constant 0 : i32
      %dma_wait3A_42 = arith.constant 0 : i32
      %dma_wait3A_43 = tpu.memref_slice %arg6[%dma_wait3A, %dma_wait3A_42] : memref<79x128xi32, #tpu.memory_space<vmem>> -> memref<1x128xi32, #tpu.memory_space<vmem>>
      %dma_wait3A_44 = tpu.memref_squeeze %dma_wait3A_43 : memref<1x128xi32, #tpu.memory_space<vmem>> -> memref<128xi32, #tpu.memory_space<vmem>>
      %dma_wait3A_45 = arith.constant 0 : i32
      %dma_wait3A_46 = arith.constant 0 : i32
      %dma_wait3A_47 = tpu.memref_slice %arg8[%dma_wait3A_45, %dma_wait3A_46] : memref<10240x16xf32, #tpu.memory_space<vmem_shared>> -> memref<10240x16xf32, #tpu.memory_space<vmem_shared>>
      tpu.wait_indirect_dma semaphore(%arg9 : memref<!tpu.dma_semaphore, #tpu.memory_space<semaphore_mem>>) src(%arg7 : memref<128x16xf32, #tpu.memory_space<vmem>>) dst(%dma_wait3A_47 : memref<10240x16xf32, #tpu.memory_space<vmem_shared>>)
    }
    %barrier3A_33 = arith.constant 0 : index
    tpu.barrier barrier_id(%barrier3A_33)
    %mul3A_34 = arith.constant 640 : i32
    %mul3A_35 = arith.muli %arg1, %mul3A_34 : i32
    %mul3A_36 = arith.constant 10240 : i32
    %mul3A_37 = arith.muli %arg0, %mul3A_36 : i32
    %mul3A_38 = arith.constant 640 : i32
    %mul3A_39 = arith.muli %arg1, %mul3A_38 : i32
    %add3A_40 = arith.addi %mul3A_37, %mul3A_39 : i32
    "tpu.region"() ({
      %run_scoped3A = tpu.sem_alloc : memref<!tpu.dma_semaphore, #tpu.memory_space<semaphore_mem>>
      %dma_start3A = arith.constant 0 : i32
      %dma_start3A_41 = tpu.memref_slice %arg5[%add3A_40, %dma_start3A] : memref<20480x16xf32, #tpu.memory_space<hbm>> -> memref<640x16xf32, #tpu.memory_space<hbm>>
      %dma_start3A_42 = arith.constant 0 : i32
      %dma_start3A_43 = tpu.memref_slice %arg8[%mul3A_35, %dma_start3A_42] : memref<10240x16xf32, #tpu.memory_space<vmem_shared>> -> memref<640x16xf32, #tpu.memory_space<vmem_shared>>
      tpu.enqueue_dma source(%dma_start3A_43 : memref<640x16xf32, #tpu.memory_space<vmem_shared>>) target(%dma_start3A_41 : memref<640x16xf32, #tpu.memory_space<hbm>>) target_semaphore(%run_scoped3A : memref<!tpu.dma_semaphore, #tpu.memory_space<semaphore_mem>>)
      %dma_wait3A = arith.constant 0 : i32
      %dma_wait3A_44 = tpu.memref_slice %arg5[%add3A_40, %dma_wait3A] : memref<20480x16xf32, #tpu.memory_space<hbm>> -> memref<640x16xf32, #tpu.memory_space<hbm>>
      %dma_wait3A_45 = arith.constant 0 : i32
      %dma_wait3A_46 = tpu.memref_slice %arg8[%mul3A_35, %dma_wait3A_45] : memref<10240x16xf32, #tpu.memory_space<vmem_shared>> -> memref<640x16xf32, #tpu.memory_space<vmem_shared>>
      tpu.wait_dma2 semaphore(%run_scoped3A : memref<!tpu.dma_semaphore, #tpu.memory_space<semaphore_mem>>) src(%dma_wait3A_46 : memref<640x16xf32, #tpu.memory_space<vmem_shared>>) dst(%dma_wait3A_44 : memref<640x16xf32, #tpu.memory_space<hbm>>)
      tpu.yield
    }) : () -> ()
    return
  }
}

#map = affine_map<(d0, d1) -> (0, 0)>
module attributes {stable_mosaic.version = 14 : i64} {
  func.func @_seg_sum(%arg0: i32, %arg1: i32, %arg2: memref<10240x64xf32, #tpu.memory_space<hbm>>, %arg3: memref<2500x128xi32, #tpu.memory_space<hbm>>, %arg4: memref<2500x128xi32, #tpu.memory_space<hbm>>, %arg5: memref<640x64xf32, #tpu.memory_space<hbm>>, %arg6: memref<20480x64xf32, #tpu.memory_space<hbm>>, %arg7: memref<79x128xi32, #tpu.memory_space<vmem>>, %arg8: memref<79x128xi32, #tpu.memory_space<vmem>>, %arg9: memref<3x128x64xf32, #tpu.memory_space<vmem>>, %arg10: memref<10240x64xf32, #tpu.memory_space<vmem_shared>>, %arg11: memref<10240x64xf32, #tpu.memory_space<vmem_shared>>, %arg12: memref<!tpu.dma_semaphore, #tpu.memory_space<semaphore_mem>>, %arg13: memref<!tpu.dma_semaphore, #tpu.memory_space<semaphore_mem>>, %arg14: memref<!tpu.dma_semaphore, #tpu.memory_space<semaphore_mem>>, %arg15: memref<!tpu.dma_semaphore, #tpu.memory_space<semaphore_mem>>, %arg16: memref<!tpu.dma_semaphore, #tpu.memory_space<semaphore_mem>>, %arg17: memref<!tpu.dma_semaphore, #tpu.memory_space<semaphore_mem>>) attributes {dimension_semantics = [#tpu.dimension_semantics<core_parallel>, #tpu.dimension_semantics<subcore_parallel>], iteration_bounds = array<i64: 2, 16>, scalar_prefetch = 0 : i64, scratch_operands = 11 : i64, tpu.core_type = #tpu.core_type<sc_vector_subcore>, window_params = [{transform_indices = #map}, {transform_indices = #map}, {transform_indices = #map}, {transform_indices = #map}, {transform_indices = #map}]} {
    %mul3A = arith.constant 16 : i32
    %mul3A_0 = arith.muli %arg0, %mul3A : i32
    %add3A = arith.addi %mul3A_0, %arg1 : i32
    %mul3A_1 = arith.constant 78 : i32
    %mul3A_2 = arith.muli %mul3A_1, %add3A : i32
    %min3A = arith.constant 4 : i32
    %min3A_3 = arith.minsi %add3A, %min3A : i32
    %add3A_4 = arith.addi %mul3A_2, %min3A_3 : i32
    "tpu.region"() ({
      %run_scoped3A = tpu.sem_alloc : memref<!tpu.dma_semaphore, #tpu.memory_space<semaphore_mem>>
      %dma_start3A_65 = arith.constant 0 : i32
      %dma_start3A_66 = arith.constant 0 : i32
      %dma_start3A_67 = tpu.memref_slice %arg7[%dma_start3A_65, %dma_start3A_66] : memref<79x128xi32, #tpu.memory_space<vmem>> -> memref<78x128xi32, #tpu.memory_space<vmem>>
      %dma_start3A_68 = arith.constant 0 : i32
      %dma_start3A_69 = tpu.memref_slice %arg3[%add3A_4, %dma_start3A_68] : memref<2500x128xi32, #tpu.memory_space<hbm>> -> memref<78x128xi32, #tpu.memory_space<hbm>>
      %dma_start3A_70 = arith.constant 0 : i32
      %dma_start3A_71 = arith.constant 0 : i32
      %dma_start3A_72 = tpu.memref_slice %arg7[%dma_start3A_70, %dma_start3A_71] : memref<79x128xi32, #tpu.memory_space<vmem>> -> memref<78x128xi32, #tpu.memory_space<vmem>>
      %dma_start3A_73 = arith.constant 0 : i32
      %dma_start3A_74 = tpu.memref_slice %arg3[%add3A_4, %dma_start3A_73] : memref<2500x128xi32, #tpu.memory_space<hbm>> -> memref<78x128xi32, #tpu.memory_space<hbm>>
      tpu.enqueue_dma source(%dma_start3A_74 : memref<78x128xi32, #tpu.memory_space<hbm>>) target(%dma_start3A_72 : memref<78x128xi32, #tpu.memory_space<vmem>>) target_semaphore(%run_scoped3A : memref<!tpu.dma_semaphore, #tpu.memory_space<semaphore_mem>>)
      %dma_wait3A_75 = arith.constant 0 : i32
      %dma_wait3A_76 = arith.constant 0 : i32
      %dma_wait3A_77 = tpu.memref_slice %arg7[%dma_wait3A_75, %dma_wait3A_76] : memref<79x128xi32, #tpu.memory_space<vmem>> -> memref<78x128xi32, #tpu.memory_space<vmem>>
      %dma_wait3A_78 = arith.constant 0 : i32
      %dma_wait3A_79 = tpu.memref_slice %arg3[%add3A_4, %dma_wait3A_78] : memref<2500x128xi32, #tpu.memory_space<hbm>> -> memref<78x128xi32, #tpu.memory_space<hbm>>
      %dma_wait3A_80 = arith.constant 0 : i32
      %dma_wait3A_81 = arith.constant 0 : i32
      %dma_wait3A_82 = tpu.memref_slice %arg7[%dma_wait3A_80, %dma_wait3A_81] : memref<79x128xi32, #tpu.memory_space<vmem>> -> memref<78x128xi32, #tpu.memory_space<vmem>>
      %dma_wait3A_83 = arith.constant 0 : i32
      %dma_wait3A_84 = tpu.memref_slice %arg3[%add3A_4, %dma_wait3A_83] : memref<2500x128xi32, #tpu.memory_space<hbm>> -> memref<78x128xi32, #tpu.memory_space<hbm>>
      tpu.wait_dma2 semaphore(%run_scoped3A : memref<!tpu.dma_semaphore, #tpu.memory_space<semaphore_mem>>) src(%dma_wait3A_84 : memref<78x128xi32, #tpu.memory_space<hbm>>) dst(%dma_wait3A_82 : memref<78x128xi32, #tpu.memory_space<vmem>>)
      tpu.yield
    }) : () -> ()
    "tpu.region"() ({
      %run_scoped3A = tpu.sem_alloc : memref<!tpu.dma_semaphore, #tpu.memory_space<semaphore_mem>>
      %dma_start3A_65 = arith.constant 0 : i32
      %dma_start3A_66 = arith.constant 0 : i32
      %dma_start3A_67 = tpu.memref_slice %arg8[%dma_start3A_65, %dma_start3A_66] : memref<79x128xi32, #tpu.memory_space<vmem>> -> memref<78x128xi32, #tpu.memory_space<vmem>>
      %dma_start3A_68 = arith.constant 0 : i32
      %dma_start3A_69 = tpu.memref_slice %arg4[%add3A_4, %dma_start3A_68] : memref<2500x128xi32, #tpu.memory_space<hbm>> -> memref<78x128xi32, #tpu.memory_space<hbm>>
      %dma_start3A_70 = arith.constant 0 : i32
      %dma_start3A_71 = arith.constant 0 : i32
      %dma_start3A_72 = tpu.memref_slice %arg8[%dma_start3A_70, %dma_start3A_71] : memref<79x128xi32, #tpu.memory_space<vmem>> -> memref<78x128xi32, #tpu.memory_space<vmem>>
      %dma_start3A_73 = arith.constant 0 : i32
      %dma_start3A_74 = tpu.memref_slice %arg4[%add3A_4, %dma_start3A_73] : memref<2500x128xi32, #tpu.memory_space<hbm>> -> memref<78x128xi32, #tpu.memory_space<hbm>>
      tpu.enqueue_dma source(%dma_start3A_74 : memref<78x128xi32, #tpu.memory_space<hbm>>) target(%dma_start3A_72 : memref<78x128xi32, #tpu.memory_space<vmem>>) target_semaphore(%run_scoped3A : memref<!tpu.dma_semaphore, #tpu.memory_space<semaphore_mem>>)
      %dma_wait3A_75 = arith.constant 0 : i32
      %dma_wait3A_76 = arith.constant 0 : i32
      %dma_wait3A_77 = tpu.memref_slice %arg8[%dma_wait3A_75, %dma_wait3A_76] : memref<79x128xi32, #tpu.memory_space<vmem>> -> memref<78x128xi32, #tpu.memory_space<vmem>>
      %dma_wait3A_78 = arith.constant 0 : i32
      %dma_wait3A_79 = tpu.memref_slice %arg4[%add3A_4, %dma_wait3A_78] : memref<2500x128xi32, #tpu.memory_space<hbm>> -> memref<78x128xi32, #tpu.memory_space<hbm>>
      %dma_wait3A_80 = arith.constant 0 : i32
      %dma_wait3A_81 = arith.constant 0 : i32
      %dma_wait3A_82 = tpu.memref_slice %arg8[%dma_wait3A_80, %dma_wait3A_81] : memref<79x128xi32, #tpu.memory_space<vmem>> -> memref<78x128xi32, #tpu.memory_space<vmem>>
      %dma_wait3A_83 = arith.constant 0 : i32
      %dma_wait3A_84 = tpu.memref_slice %arg4[%add3A_4, %dma_wait3A_83] : memref<2500x128xi32, #tpu.memory_space<hbm>> -> memref<78x128xi32, #tpu.memory_space<hbm>>
      tpu.wait_dma2 semaphore(%run_scoped3A : memref<!tpu.dma_semaphore, #tpu.memory_space<semaphore_mem>>) src(%dma_wait3A_84 : memref<78x128xi32, #tpu.memory_space<hbm>>) dst(%dma_wait3A_82 : memref<78x128xi32, #tpu.memory_space<vmem>>)
      tpu.yield
    }) : () -> ()
    %lt3A = arith.constant 4 : i32
    %lt3A_5 = arith.cmpi slt, %add3A, %lt3A : i32
    %convert_element_type3A = arith.extui %lt3A_5 : i1 to i32
    %cond3A = arith.constant 0 : i32
    %cond3A_6 = arith.cmpi ne, %convert_element_type3A, %cond3A : i32
    scf.if %cond3A_6 {
      %add3A_65 = arith.constant 78 : i32
      %add3A_66 = arith.addi %add3A_4, %add3A_65 : i32
      "tpu.region"() ({
        %run_scoped3A = tpu.sem_alloc : memref<!tpu.dma_semaphore, #tpu.memory_space<semaphore_mem>>
        %dma_start3A_69 = arith.constant 78 : i32
        %dma_start3A_70 = arith.constant 0 : i32
        %dma_start3A_71 = tpu.memref_slice %arg7[%dma_start3A_69, %dma_start3A_70] : memref<79x128xi32, #tpu.memory_space<vmem>> -> memref<1x128xi32, #tpu.memory_space<vmem>>
        %dma_start3A_72 = arith.constant 0 : i32
        %dma_start3A_73 = tpu.memref_slice %arg3[%add3A_66, %dma_start3A_72] : memref<2500x128xi32, #tpu.memory_space<hbm>> -> memref<1x128xi32, #tpu.memory_space<hbm>>
        %dma_start3A_74 = arith.constant 78 : i32
        %dma_start3A_75 = arith.constant 0 : i32
        %dma_start3A_76 = tpu.memref_slice %arg7[%dma_start3A_74, %dma_start3A_75] : memref<79x128xi32, #tpu.memory_space<vmem>> -> memref<1x128xi32, #tpu.memory_space<vmem>>
        %dma_start3A_77 = arith.constant 0 : i32
        %dma_start3A_78 = tpu.memref_slice %arg3[%add3A_66, %dma_start3A_77] : memref<2500x128xi32, #tpu.memory_space<hbm>> -> memref<1x128xi32, #tpu.memory_space<hbm>>
        tpu.enqueue_dma source(%dma_start3A_78 : memref<1x128xi32, #tpu.memory_space<hbm>>) target(%dma_start3A_76 : memref<1x128xi32, #tpu.memory_space<vmem>>) target_semaphore(%run_scoped3A : memref<!tpu.dma_semaphore, #tpu.memory_space<semaphore_mem>>)
        %dma_wait3A_79 = arith.constant 78 : i32
        %dma_wait3A_80 = arith.constant 0 : i32
        %dma_wait3A_81 = tpu.memref_slice %arg7[%dma_wait3A_79, %dma_wait3A_80] : memref<79x128xi32, #tpu.memory_space<vmem>> -> memref<1x128xi32, #tpu.memory_space<vmem>>
        %dma_wait3A_82 = arith.constant 0 : i32
        %dma_wait3A_83 = tpu.memref_slice %arg3[%add3A_66, %dma_wait3A_82] : memref<2500x128xi32, #tpu.memory_space<hbm>> -> memref<1x128xi32, #tpu.memory_space<hbm>>
        %dma_wait3A_84 = arith.constant 78 : i32
        %dma_wait3A_85 = arith.constant 0 : i32
        %dma_wait3A_86 = tpu.memref_slice %arg7[%dma_wait3A_84, %dma_wait3A_85] : memref<79x128xi32, #tpu.memory_space<vmem>> -> memref<1x128xi32, #tpu.memory_space<vmem>>
        %dma_wait3A_87 = arith.constant 0 : i32
        %dma_wait3A_88 = tpu.memref_slice %arg3[%add3A_66, %dma_wait3A_87] : memref<2500x128xi32, #tpu.memory_space<hbm>> -> memref<1x128xi32, #tpu.memory_space<hbm>>
        tpu.wait_dma2 semaphore(%run_scoped3A : memref<!tpu.dma_semaphore, #tpu.memory_space<semaphore_mem>>) src(%dma_wait3A_88 : memref<1x128xi32, #tpu.memory_space<hbm>>) dst(%dma_wait3A_86 : memref<1x128xi32, #tpu.memory_space<vmem>>)
        tpu.yield
      }) : () -> ()
      %add3A_67 = arith.constant 78 : i32
      %add3A_68 = arith.addi %add3A_4, %add3A_67 : i32
      "tpu.region"() ({
        %run_scoped3A = tpu.sem_alloc : memref<!tpu.dma_semaphore, #tpu.memory_space<semaphore_mem>>
        %dma_start3A_69 = arith.constant 78 : i32
        %dma_start3A_70 = arith.constant 0 : i32
        %dma_start3A_71 = tpu.memref_slice %arg8[%dma_start3A_69, %dma_start3A_70] : memref<79x128xi32, #tpu.memory_space<vmem>> -> memref<1x128xi32, #tpu.memory_space<vmem>>
        %dma_start3A_72 = arith.constant 0 : i32
        %dma_start3A_73 = tpu.memref_slice %arg4[%add3A_68, %dma_start3A_72] : memref<2500x128xi32, #tpu.memory_space<hbm>> -> memref<1x128xi32, #tpu.memory_space<hbm>>
        %dma_start3A_74 = arith.constant 78 : i32
        %dma_start3A_75 = arith.constant 0 : i32
        %dma_start3A_76 = tpu.memref_slice %arg8[%dma_start3A_74, %dma_start3A_75] : memref<79x128xi32, #tpu.memory_space<vmem>> -> memref<1x128xi32, #tpu.memory_space<vmem>>
        %dma_start3A_77 = arith.constant 0 : i32
        %dma_start3A_78 = tpu.memref_slice %arg4[%add3A_68, %dma_start3A_77] : memref<2500x128xi32, #tpu.memory_space<hbm>> -> memref<1x128xi32, #tpu.memory_space<hbm>>
        tpu.enqueue_dma source(%dma_start3A_78 : memref<1x128xi32, #tpu.memory_space<hbm>>) target(%dma_start3A_76 : memref<1x128xi32, #tpu.memory_space<vmem>>) target_semaphore(%run_scoped3A : memref<!tpu.dma_semaphore, #tpu.memory_space<semaphore_mem>>)
        %dma_wait3A_79 = arith.constant 78 : i32
        %dma_wait3A_80 = arith.constant 0 : i32
        %dma_wait3A_81 = tpu.memref_slice %arg8[%dma_wait3A_79, %dma_wait3A_80] : memref<79x128xi32, #tpu.memory_space<vmem>> -> memref<1x128xi32, #tpu.memory_space<vmem>>
        %dma_wait3A_82 = arith.constant 0 : i32
        %dma_wait3A_83 = tpu.memref_slice %arg4[%add3A_68, %dma_wait3A_82] : memref<2500x128xi32, #tpu.memory_space<hbm>> -> memref<1x128xi32, #tpu.memory_space<hbm>>
        %dma_wait3A_84 = arith.constant 78 : i32
        %dma_wait3A_85 = arith.constant 0 : i32
        %dma_wait3A_86 = tpu.memref_slice %arg8[%dma_wait3A_84, %dma_wait3A_85] : memref<79x128xi32, #tpu.memory_space<vmem>> -> memref<1x128xi32, #tpu.memory_space<vmem>>
        %dma_wait3A_87 = arith.constant 0 : i32
        %dma_wait3A_88 = tpu.memref_slice %arg4[%add3A_68, %dma_wait3A_87] : memref<2500x128xi32, #tpu.memory_space<hbm>> -> memref<1x128xi32, #tpu.memory_space<hbm>>
        tpu.wait_dma2 semaphore(%run_scoped3A : memref<!tpu.dma_semaphore, #tpu.memory_space<semaphore_mem>>) src(%dma_wait3A_88 : memref<1x128xi32, #tpu.memory_space<hbm>>) dst(%dma_wait3A_86 : memref<1x128xi32, #tpu.memory_space<vmem>>)
        tpu.yield
      }) : () -> ()
    } else {
    }
    %mul3A_7 = arith.constant 640 : i32
    %mul3A_8 = arith.muli %arg1, %mul3A_7 : i32
    %mul3A_9 = arith.constant 640 : i32
    %mul3A_10 = arith.muli %arg1, %mul3A_9 : i32
    "tpu.region"() ({
      %run_scoped3A = tpu.sem_alloc : memref<!tpu.dma_semaphore, #tpu.memory_space<semaphore_mem>>
      %dma_start3A_65 = arith.constant 0 : i32
      %dma_start3A_66 = tpu.memref_slice %arg10[%mul3A_10, %dma_start3A_65] : memref<10240x64xf32, #tpu.memory_space<vmem_shared>> -> memref<640x64xf32, #tpu.memory_space<vmem_shared>>
      %dma_start3A_67 = arith.constant 0 : i32
      %dma_start3A_68 = tpu.memref_slice %arg2[%mul3A_8, %dma_start3A_67] : memref<10240x64xf32, #tpu.memory_space<hbm>> -> memref<640x64xf32, #tpu.memory_space<hbm>>
      tpu.enqueue_dma source(%dma_start3A_68 : memref<640x64xf32, #tpu.memory_space<hbm>>) target(%dma_start3A_66 : memref<640x64xf32, #tpu.memory_space<vmem_shared>>) target_semaphore(%run_scoped3A : memref<!tpu.dma_semaphore, #tpu.memory_space<semaphore_mem>>)
      %dma_wait3A_69 = arith.constant 0 : i32
      %dma_wait3A_70 = tpu.memref_slice %arg10[%mul3A_10, %dma_wait3A_69] : memref<10240x64xf32, #tpu.memory_space<vmem_shared>> -> memref<640x64xf32, #tpu.memory_space<vmem_shared>>
      %dma_wait3A_71 = arith.constant 0 : i32
      %dma_wait3A_72 = tpu.memref_slice %arg2[%mul3A_8, %dma_wait3A_71] : memref<10240x64xf32, #tpu.memory_space<hbm>> -> memref<640x64xf32, #tpu.memory_space<hbm>>
      tpu.wait_dma2 semaphore(%run_scoped3A : memref<!tpu.dma_semaphore, #tpu.memory_space<semaphore_mem>>) src(%dma_wait3A_72 : memref<640x64xf32, #tpu.memory_space<hbm>>) dst(%dma_wait3A_70 : memref<640x64xf32, #tpu.memory_space<vmem_shared>>)
      tpu.yield
    }) : () -> ()
    %mul3A_11 = arith.constant 640 : i32
    %mul3A_12 = arith.muli %arg1, %mul3A_11 : i32
    "tpu.region"() ({
      %run_scoped3A = tpu.sem_alloc : memref<!tpu.dma_semaphore, #tpu.memory_space<semaphore_mem>>
      %dma_start3A_65 = arith.constant 0 : i32
      %dma_start3A_66 = tpu.memref_slice %arg11[%mul3A_12, %dma_start3A_65] : memref<10240x64xf32, #tpu.memory_space<vmem_shared>> -> memref<640x64xf32, #tpu.memory_space<vmem_shared>>
      tpu.enqueue_dma source(%arg5 : memref<640x64xf32, #tpu.memory_space<hbm>>) target(%dma_start3A_66 : memref<640x64xf32, #tpu.memory_space<vmem_shared>>) target_semaphore(%run_scoped3A : memref<!tpu.dma_semaphore, #tpu.memory_space<semaphore_mem>>)
      %dma_wait3A_67 = arith.constant 0 : i32
      %dma_wait3A_68 = tpu.memref_slice %arg11[%mul3A_12, %dma_wait3A_67] : memref<10240x64xf32, #tpu.memory_space<vmem_shared>> -> memref<640x64xf32, #tpu.memory_space<vmem_shared>>
      tpu.wait_dma2 semaphore(%run_scoped3A : memref<!tpu.dma_semaphore, #tpu.memory_space<semaphore_mem>>) src(%arg5 : memref<640x64xf32, #tpu.memory_space<hbm>>) dst(%dma_wait3A_68 : memref<640x64xf32, #tpu.memory_space<vmem_shared>>)
      tpu.yield
    }) : () -> ()
    %barrier3A = arith.constant 0 : index
    tpu.barrier barrier_id(%barrier3A)
    %dma_start3A = arith.constant 0 : i32
    %dma_start3A_13 = arith.constant 0 : i32
    %dma_start3A_14 = arith.constant 0 : i32
    %dma_start3A_15 = arith.constant 0 : i32
    %dma_start3A_16 = tpu.memref_slice %arg9[%dma_start3A_13, %dma_start3A_14, %dma_start3A_15] : memref<3x128x64xf32, #tpu.memory_space<vmem>> -> memref<1x128x64xf32, #tpu.memory_space<vmem>>
    %dma_start3A_17 = tpu.memref_squeeze %dma_start3A_16 : memref<1x128x64xf32, #tpu.memory_space<vmem>> -> memref<128x64xf32, #tpu.memory_space<vmem>>
    %dma_start3A_18 = arith.constant 0 : i32
    %dma_start3A_19 = tpu.memref_slice %arg7[%dma_start3A, %dma_start3A_18] : memref<79x128xi32, #tpu.memory_space<vmem>> -> memref<1x128xi32, #tpu.memory_space<vmem>>
    %dma_start3A_20 = tpu.memref_squeeze %dma_start3A_19 : memref<1x128xi32, #tpu.memory_space<vmem>> -> memref<128xi32, #tpu.memory_space<vmem>>
    %dma_start3A_21 = arith.constant 0 : i32
    %dma_start3A_22 = arith.constant 0 : i32
    %dma_start3A_23 = tpu.memref_slice %arg10[%dma_start3A_21, %dma_start3A_22] : memref<10240x64xf32, #tpu.memory_space<vmem_shared>> -> memref<10240x64xf32, #tpu.memory_space<vmem_shared>>
    tpu.enqueue_indirect_dma source(%dma_start3A_23 : memref<10240x64xf32, #tpu.memory_space<vmem_shared>>) target(%dma_start3A_17 : memref<128x64xf32, #tpu.memory_space<vmem>>) offsets(%dma_start3A_20 : memref<128xi32, #tpu.memory_space<vmem>>) semaphore(%arg12 : memref<!tpu.dma_semaphore, #tpu.memory_space<semaphore_mem>>)
    %scan3A = arith.constant 0 : i32
    %scan3A_24 = arith.constant 0 : i32
    %scan3A_25 = arith.constant 26 : i32
    %scan3A_26 = arith.addi %scan3A_24, %scan3A_25 : i32
    %scan3A_27 = arith.constant 1 : i32
    scf.for %scan3A_65 = %scan3A_24 to %scan3A_26 step %scan3A_27  : i32 {
      %mul3A_66 = arith.constant 3 : i32
      %mul3A_67 = arith.muli %scan3A_65, %mul3A_66 : i32
      %add3A_68 = arith.constant 0 : i32
      %add3A_69 = arith.addi %mul3A_67, %add3A_68 : i32
      %dma_wait3A_70 = arith.constant 0 : i32
      %dma_wait3A_71 = arith.constant 0 : i32
      %dma_wait3A_72 = arith.constant 0 : i32
      %dma_wait3A_73 = tpu.memref_slice %arg9[%dma_wait3A_70, %dma_wait3A_71, %dma_wait3A_72] : memref<3x128x64xf32, #tpu.memory_space<vmem>> -> memref<1x128x64xf32, #tpu.memory_space<vmem>>
      %dma_wait3A_74 = tpu.memref_squeeze %dma_wait3A_73 : memref<1x128x64xf32, #tpu.memory_space<vmem>> -> memref<128x64xf32, #tpu.memory_space<vmem>>
      %dma_wait3A_75 = arith.constant 0 : i32
      %dma_wait3A_76 = tpu.memref_slice %arg7[%add3A_69, %dma_wait3A_75] : memref<79x128xi32, #tpu.memory_space<vmem>> -> memref<1x128xi32, #tpu.memory_space<vmem>>
      %dma_wait3A_77 = tpu.memref_squeeze %dma_wait3A_76 : memref<1x128xi32, #tpu.memory_space<vmem>> -> memref<128xi32, #tpu.memory_space<vmem>>
      %dma_wait3A_78 = arith.constant 0 : i32
      %dma_wait3A_79 = arith.constant 0 : i32
      %dma_wait3A_80 = tpu.memref_slice %arg10[%dma_wait3A_78, %dma_wait3A_79] : memref<10240x64xf32, #tpu.memory_space<vmem_shared>> -> memref<10240x64xf32, #tpu.memory_space<vmem_shared>>
      tpu.wait_indirect_dma semaphore(%arg12 : memref<!tpu.dma_semaphore, #tpu.memory_space<semaphore_mem>>) src(%dma_wait3A_80 : memref<10240x64xf32, #tpu.memory_space<vmem_shared>>) dst(%dma_wait3A_74 : memref<128x64xf32, #tpu.memory_space<vmem>>)
      %add3A_81 = arith.constant 1 : i32
      %add3A_82 = arith.addi %add3A_69, %add3A_81 : i32
      %ge3A = arith.constant 3 : i32
      %ge3A_83 = arith.cmpi sge, %add3A_82, %ge3A : i32
      %convert_element_type3A_84 = arith.extui %ge3A_83 : i1 to i32
      %cond3A_85 = arith.constant 0 : i32
      %cond3A_86 = arith.cmpi ne, %convert_element_type3A_84, %cond3A_85 : i32
      scf.if %cond3A_86 {
        %dma_wait3A_185 = arith.constant 1 : i32
        %dma_wait3A_186 = arith.constant 0 : i32
        %dma_wait3A_187 = arith.constant 0 : i32
        %dma_wait3A_188 = arith.constant 0 : i32
        %dma_wait3A_189 = tpu.memref_slice %arg9[%dma_wait3A_185, %dma_wait3A_187, %dma_wait3A_188] : memref<3x128x64xf32, #tpu.memory_space<vmem>> -> memref<1x128x64xf32, #tpu.memory_space<vmem>>
        %dma_wait3A_190 = tpu.memref_squeeze %dma_wait3A_189 : memref<1x128x64xf32, #tpu.memory_space<vmem>> -> memref<128x64xf32, #tpu.memory_space<vmem>>
        %dma_wait3A_191 = arith.constant 0 : i32
        %dma_wait3A_192 = tpu.memref_slice %arg8[%dma_wait3A_186, %dma_wait3A_191] : memref<79x128xi32, #tpu.memory_space<vmem>> -> memref<1x128xi32, #tpu.memory_space<vmem>>
        %dma_wait3A_193 = tpu.memref_squeeze %dma_wait3A_192 : memref<1x128xi32, #tpu.memory_space<vmem>> -> memref<128xi32, #tpu.memory_space<vmem>>
        %dma_wait3A_194 = arith.constant 0 : i32
        %dma_wait3A_195 = arith.constant 0 : i32
        %dma_wait3A_196 = tpu.memref_slice %arg11[%dma_wait3A_194, %dma_wait3A_195] : memref<10240x64xf32, #tpu.memory_space<vmem_shared>> -> memref<10240x64xf32, #tpu.memory_space<vmem_shared>>
        tpu.wait_indirect_dma semaphore(%arg16 : memref<!tpu.dma_semaphore, #tpu.memory_space<semaphore_mem>>) src(%dma_wait3A_190 : memref<128x64xf32, #tpu.memory_space<vmem>>) dst(%dma_wait3A_196 : memref<10240x64xf32, #tpu.memory_space<vmem_shared>>)
      } else {
      }
      %add3A_87 = arith.constant 1 : i32
      %add3A_88 = arith.addi %add3A_69, %add3A_87 : i32
      %lt3A_89 = arith.constant 78 : i32
      %lt3A_90 = arith.cmpi slt, %add3A_88, %lt3A_89 : i32
      %convert_element_type3A_91 = arith.extui %lt3A_90 : i1 to i32
      %cond3A_92 = arith.constant 0 : i32
      %cond3A_93 = arith.cmpi ne, %convert_element_type3A_91, %cond3A_92 : i32
      scf.if %cond3A_93 {
        %add3A_185 = arith.constant 1 : i32
        %add3A_186 = arith.addi %add3A_69, %add3A_185 : i32
        %dma_start3A_187 = arith.constant 1 : i32
        %dma_start3A_188 = arith.constant 0 : i32
        %dma_start3A_189 = arith.constant 0 : i32
        %dma_start3A_190 = tpu.memref_slice %arg9[%dma_start3A_187, %dma_start3A_188, %dma_start3A_189] : memref<3x128x64xf32, #tpu.memory_space<vmem>> -> memref<1x128x64xf32, #tpu.memory_space<vmem>>
        %dma_start3A_191 = tpu.memref_squeeze %dma_start3A_190 : memref<1x128x64xf32, #tpu.memory_space<vmem>> -> memref<128x64xf32, #tpu.memory_space<vmem>>
        %dma_start3A_192 = arith.constant 0 : i32
        %dma_start3A_193 = tpu.memref_slice %arg7[%add3A_186, %dma_start3A_192] : memref<79x128xi32, #tpu.memory_space<vmem>> -> memref<1x128xi32, #tpu.memory_space<vmem>>
        %dma_start3A_194 = tpu.memref_squeeze %dma_start3A_193 : memref<1x128xi32, #tpu.memory_space<vmem>> -> memref<128xi32, #tpu.memory_space<vmem>>
        %dma_start3A_195 = arith.constant 0 : i32
        %dma_start3A_196 = arith.constant 0 : i32
        %dma_start3A_197 = tpu.memref_slice %arg10[%dma_start3A_195, %dma_start3A_196] : memref<10240x64xf32, #tpu.memory_space<vmem_shared>> -> memref<10240x64xf32, #tpu.memory_space<vmem_shared>>
        tpu.enqueue_indirect_dma source(%dma_start3A_197 : memref<10240x64xf32, #tpu.memory_space<vmem_shared>>) target(%dma_start3A_191 : memref<128x64xf32, #tpu.memory_space<vmem>>) offsets(%dma_start3A_194 : memref<128xi32, #tpu.memory_space<vmem>>) semaphore(%arg13 : memref<!tpu.dma_semaphore, #tpu.memory_space<semaphore_mem>>)
      } else {
      }
      %dma_start3A_94 = arith.constant 0 : i32
      %dma_start3A_95 = arith.constant 0 : i32
      %dma_start3A_96 = arith.constant 0 : i32
      %dma_start3A_97 = tpu.memref_slice %arg9[%dma_start3A_94, %dma_start3A_95, %dma_start3A_96] : memref<3x128x64xf32, #tpu.memory_space<vmem>> -> memref<1x128x64xf32, #tpu.memory_space<vmem>>
      %dma_start3A_98 = tpu.memref_squeeze %dma_start3A_97 : memref<1x128x64xf32, #tpu.memory_space<vmem>> -> memref<128x64xf32, #tpu.memory_space<vmem>>
      %dma_start3A_99 = arith.constant 0 : i32
      %dma_start3A_100 = tpu.memref_slice %arg8[%add3A_69, %dma_start3A_99] : memref<79x128xi32, #tpu.memory_space<vmem>> -> memref<1x128xi32, #tpu.memory_space<vmem>>
      %dma_start3A_101 = tpu.memref_squeeze %dma_start3A_100 : memref<1x128xi32, #tpu.memory_space<vmem>> -> memref<128xi32, #tpu.memory_space<vmem>>
      %dma_start3A_102 = arith.constant 0 : i32
      %dma_start3A_103 = arith.constant 0 : i32
      %dma_start3A_104 = tpu.memref_slice %arg11[%dma_start3A_102, %dma_start3A_103] : memref<10240x64xf32, #tpu.memory_space<vmem_shared>> -> memref<10240x64xf32, #tpu.memory_space<vmem_shared>>
      tpu.enqueue_indirect_dma source(%dma_start3A_98 : memref<128x64xf32, #tpu.memory_space<vmem>>) target(%dma_start3A_104 : memref<10240x64xf32, #tpu.memory_space<vmem_shared>>) offsets(%dma_start3A_101 : memref<128xi32, #tpu.memory_space<vmem>>) semaphore(%arg15 : memref<!tpu.dma_semaphore, #tpu.memory_space<semaphore_mem>>) {add = true}
      %mul3A_105 = arith.constant 3 : i32
      %mul3A_106 = arith.muli %scan3A_65, %mul3A_105 : i32
      %add3A_107 = arith.constant 1 : i32
      %add3A_108 = arith.addi %mul3A_106, %add3A_107 : i32
      %dma_wait3A_109 = arith.constant 1 : i32
      %dma_wait3A_110 = arith.constant 0 : i32
      %dma_wait3A_111 = arith.constant 0 : i32
      %dma_wait3A_112 = tpu.memref_slice %arg9[%dma_wait3A_109, %dma_wait3A_110, %dma_wait3A_111] : memref<3x128x64xf32, #tpu.memory_space<vmem>> -> memref<1x128x64xf32, #tpu.memory_space<vmem>>
      %dma_wait3A_113 = tpu.memref_squeeze %dma_wait3A_112 : memref<1x128x64xf32, #tpu.memory_space<vmem>> -> memref<128x64xf32, #tpu.memory_space<vmem>>
      %dma_wait3A_114 = arith.constant 0 : i32
      %dma_wait3A_115 = tpu.memref_slice %arg7[%add3A_108, %dma_wait3A_114] : memref<79x128xi32, #tpu.memory_space<vmem>> -> memref<1x128xi32, #tpu.memory_space<vmem>>
      %dma_wait3A_116 = tpu.memref_squeeze %dma_wait3A_115 : memref<1x128xi32, #tpu.memory_space<vmem>> -> memref<128xi32, #tpu.memory_space<vmem>>
      %dma_wait3A_117 = arith.constant 0 : i32
      %dma_wait3A_118 = arith.constant 0 : i32
      %dma_wait3A_119 = tpu.memref_slice %arg10[%dma_wait3A_117, %dma_wait3A_118] : memref<10240x64xf32, #tpu.memory_space<vmem_shared>> -> memref<10240x64xf32, #tpu.memory_space<vmem_shared>>
      tpu.wait_indirect_dma semaphore(%arg13 : memref<!tpu.dma_semaphore, #tpu.memory_space<semaphore_mem>>) src(%dma_wait3A_119 : memref<10240x64xf32, #tpu.memory_space<vmem_shared>>) dst(%dma_wait3A_113 : memref<128x64xf32, #tpu.memory_space<vmem>>)
      %add3A_120 = arith.constant 1 : i32
      %add3A_121 = arith.addi %add3A_108, %add3A_120 : i32
      %ge3A_122 = arith.constant 3 : i32
      %ge3A_123 = arith.cmpi sge, %add3A_121, %ge3A_122 : i32
      %convert_element_type3A_124 = arith.extui %ge3A_123 : i1 to i32
      %cond3A_125 = arith.constant 0 : i32
      %cond3A_126 = arith.cmpi ne, %convert_element_type3A_124, %cond3A_125 : i32
      scf.if %cond3A_126 {
        %dma_wait3A_185 = arith.constant 2 : i32
        %dma_wait3A_186 = arith.constant 0 : i32
        %dma_wait3A_187 = arith.constant 0 : i32
        %dma_wait3A_188 = arith.constant 0 : i32
        %dma_wait3A_189 = tpu.memref_slice %arg9[%dma_wait3A_185, %dma_wait3A_187, %dma_wait3A_188] : memref<3x128x64xf32, #tpu.memory_space<vmem>> -> memref<1x128x64xf32, #tpu.memory_space<vmem>>
        %dma_wait3A_190 = tpu.memref_squeeze %dma_wait3A_189 : memref<1x128x64xf32, #tpu.memory_space<vmem>> -> memref<128x64xf32, #tpu.memory_space<vmem>>
        %dma_wait3A_191 = arith.constant 0 : i32
        %dma_wait3A_192 = tpu.memref_slice %arg8[%dma_wait3A_186, %dma_wait3A_191] : memref<79x128xi32, #tpu.memory_space<vmem>> -> memref<1x128xi32, #tpu.memory_space<vmem>>
        %dma_wait3A_193 = tpu.memref_squeeze %dma_wait3A_192 : memref<1x128xi32, #tpu.memory_space<vmem>> -> memref<128xi32, #tpu.memory_space<vmem>>
        %dma_wait3A_194 = arith.constant 0 : i32
        %dma_wait3A_195 = arith.constant 0 : i32
        %dma_wait3A_196 = tpu.memref_slice %arg11[%dma_wait3A_194, %dma_wait3A_195] : memref<10240x64xf32, #tpu.memory_space<vmem_shared>> -> memref<10240x64xf32, #tpu.memory_space<vmem_shared>>
        tpu.wait_indirect_dma semaphore(%arg17 : memref<!tpu.dma_semaphore, #tpu.memory_space<semaphore_mem>>) src(%dma_wait3A_190 : memref<128x64xf32, #tpu.memory_space<vmem>>) dst(%dma_wait3A_196 : memref<10240x64xf32, #tpu.memory_space<vmem_shared>>)
      } else {
      }
      %add3A_127 = arith.constant 1 : i32
      %add3A_128 = arith.addi %add3A_108, %add3A_127 : i32
      %lt3A_129 = arith.constant 78 : i32
      %lt3A_130 = arith.cmpi slt, %add3A_128, %lt3A_129 : i32
      %convert_element_type3A_131 = arith.extui %lt3A_130 : i1 to i32
      %cond3A_132 = arith.constant 0 : i32
      %cond3A_133 = arith.cmpi ne, %convert_element_type3A_131, %cond3A_132 : i32
      scf.if %cond3A_133 {
        %add3A_185 = arith.constant 1 : i32
        %add3A_186 = arith.addi %add3A_108, %add3A_185 : i32
        %dma_start3A_187 = arith.constant 2 : i32
        %dma_start3A_188 = arith.constant 0 : i32
        %dma_start3A_189 = arith.constant 0 : i32
        %dma_start3A_190 = tpu.memref_slice %arg9[%dma_start3A_187, %dma_start3A_188, %dma_start3A_189] : memref<3x128x64xf32, #tpu.memory_space<vmem>> -> memref<1x128x64xf32, #tpu.memory_space<vmem>>
        %dma_start3A_191 = tpu.memref_squeeze %dma_start3A_190 : memref<1x128x64xf32, #tpu.memory_space<vmem>> -> memref<128x64xf32, #tpu.memory_space<vmem>>
        %dma_start3A_192 = arith.constant 0 : i32
        %dma_start3A_193 = tpu.memref_slice %arg7[%add3A_186, %dma_start3A_192] : memref<79x128xi32, #tpu.memory_space<vmem>> -> memref<1x128xi32, #tpu.memory_space<vmem>>
        %dma_start3A_194 = tpu.memref_squeeze %dma_start3A_193 : memref<1x128xi32, #tpu.memory_space<vmem>> -> memref<128xi32, #tpu.memory_space<vmem>>
        %dma_start3A_195 = arith.constant 0 : i32
        %dma_start3A_196 = arith.constant 0 : i32
        %dma_start3A_197 = tpu.memref_slice %arg10[%dma_start3A_195, %dma_start3A_196] : memref<10240x64xf32, #tpu.memory_space<vmem_shared>> -> memref<10240x64xf32, #tpu.memory_space<vmem_shared>>
        tpu.enqueue_indirect_dma source(%dma_start3A_197 : memref<10240x64xf32, #tpu.memory_space<vmem_shared>>) target(%dma_start3A_191 : memref<128x64xf32, #tpu.memory_space<vmem>>) offsets(%dma_start3A_194 : memref<128xi32, #tpu.memory_space<vmem>>) semaphore(%arg14 : memref<!tpu.dma_semaphore, #tpu.memory_space<semaphore_mem>>)
      } else {
      }
      %dma_start3A_134 = arith.constant 1 : i32
      %dma_start3A_135 = arith.constant 0 : i32
      %dma_start3A_136 = arith.constant 0 : i32
      %dma_start3A_137 = tpu.memref_slice %arg9[%dma_start3A_134, %dma_start3A_135, %dma_start3A_136] : memref<3x128x64xf32, #tpu.memory_space<vmem>> -> memref<1x128x64xf32, #tpu.memory_space<vmem>>
      %dma_start3A_138 = tpu.memref_squeeze %dma_start3A_137 : memref<1x128x64xf32, #tpu.memory_space<vmem>> -> memref<128x64xf32, #tpu.memory_space<vmem>>
      %dma_start3A_139 = arith.constant 0 : i32
      %dma_start3A_140 = tpu.memref_slice %arg8[%add3A_108, %dma_start3A_139] : memref<79x128xi32, #tpu.memory_space<vmem>> -> memref<1x128xi32, #tpu.memory_space<vmem>>
      %dma_start3A_141 = tpu.memref_squeeze %dma_start3A_140 : memref<1x128xi32, #tpu.memory_space<vmem>> -> memref<128xi32, #tpu.memory_space<vmem>>
      %dma_start3A_142 = arith.constant 0 : i32
      %dma_start3A_143 = arith.constant 0 : i32
      %dma_start3A_144 = tpu.memref_slice %arg11[%dma_start3A_142, %dma_start3A_143] : memref<10240x64xf32, #tpu.memory_space<vmem_shared>> -> memref<10240x64xf32, #tpu.memory_space<vmem_shared>>
      tpu.enqueue_indirect_dma source(%dma_start3A_138 : memref<128x64xf32, #tpu.memory_space<vmem>>) target(%dma_start3A_144 : memref<10240x64xf32, #tpu.memory_space<vmem_shared>>) offsets(%dma_start3A_141 : memref<128xi32, #tpu.memory_space<vmem>>) semaphore(%arg16 : memref<!tpu.dma_semaphore, #tpu.memory_space<semaphore_mem>>) {add = true}
      %mul3A_145 = arith.constant 3 : i32
      %mul3A_146 = arith.muli %scan3A_65, %mul3A_145 : i32
      %add3A_147 = arith.constant 2 : i32
      %add3A_148 = arith.addi %mul3A_146, %add3A_147 : i32
      %dma_wait3A_149 = arith.constant 2 : i32
      %dma_wait3A_150 = arith.constant 0 : i32
      %dma_wait3A_151 = arith.constant 0 : i32
      %dma_wait3A_152 = tpu.memref_slice %arg9[%dma_wait3A_149, %dma_wait3A_150, %dma_wait3A_151] : memref<3x128x64xf32, #tpu.memory_space<vmem>> -> memref<1x128x64xf32, #tpu.memory_space<vmem>>
      %dma_wait3A_153 = tpu.memref_squeeze %dma_wait3A_152 : memref<1x128x64xf32, #tpu.memory_space<vmem>> -> memref<128x64xf32, #tpu.memory_space<vmem>>
      %dma_wait3A_154 = arith.constant 0 : i32
      %dma_wait3A_155 = tpu.memref_slice %arg7[%add3A_148, %dma_wait3A_154] : memref<79x128xi32, #tpu.memory_space<vmem>> -> memref<1x128xi32, #tpu.memory_space<vmem>>
      %dma_wait3A_156 = tpu.memref_squeeze %dma_wait3A_155 : memref<1x128xi32, #tpu.memory_space<vmem>> -> memref<128xi32, #tpu.memory_space<vmem>>
      %dma_wait3A_157 = arith.constant 0 : i32
      %dma_wait3A_158 = arith.constant 0 : i32
      %dma_wait3A_159 = tpu.memref_slice %arg10[%dma_wait3A_157, %dma_wait3A_158] : memref<10240x64xf32, #tpu.memory_space<vmem_shared>> -> memref<10240x64xf32, #tpu.memory_space<vmem_shared>>
      tpu.wait_indirect_dma semaphore(%arg14 : memref<!tpu.dma_semaphore, #tpu.memory_space<semaphore_mem>>) src(%dma_wait3A_159 : memref<10240x64xf32, #tpu.memory_space<vmem_shared>>) dst(%dma_wait3A_153 : memref<128x64xf32, #tpu.memory_space<vmem>>)
      %add3A_160 = arith.constant 1 : i32
      %add3A_161 = arith.addi %add3A_148, %add3A_160 : i32
      %ge3A_162 = arith.constant 3 : i32
      %ge3A_163 = arith.cmpi sge, %add3A_161, %ge3A_162 : i32
      %convert_element_type3A_164 = arith.extui %ge3A_163 : i1 to i32
      %cond3A_165 = arith.constant 0 : i32
      %cond3A_166 = arith.cmpi ne, %convert_element_type3A_164, %cond3A_165 : i32
      scf.if %cond3A_166 {
        %dma_wait3A_185 = arith.constant 0 : i32
        %dma_wait3A_186 = arith.constant 0 : i32
        %dma_wait3A_187 = arith.constant 0 : i32
        %dma_wait3A_188 = arith.constant 0 : i32
        %dma_wait3A_189 = tpu.memref_slice %arg9[%dma_wait3A_185, %dma_wait3A_187, %dma_wait3A_188] : memref<3x128x64xf32, #tpu.memory_space<vmem>> -> memref<1x128x64xf32, #tpu.memory_space<vmem>>
        %dma_wait3A_190 = tpu.memref_squeeze %dma_wait3A_189 : memref<1x128x64xf32, #tpu.memory_space<vmem>> -> memref<128x64xf32, #tpu.memory_space<vmem>>
        %dma_wait3A_191 = arith.constant 0 : i32
        %dma_wait3A_192 = tpu.memref_slice %arg8[%dma_wait3A_186, %dma_wait3A_191] : memref<79x128xi32, #tpu.memory_space<vmem>> -> memref<1x128xi32, #tpu.memory_space<vmem>>
        %dma_wait3A_193 = tpu.memref_squeeze %dma_wait3A_192 : memref<1x128xi32, #tpu.memory_space<vmem>> -> memref<128xi32, #tpu.memory_space<vmem>>
        %dma_wait3A_194 = arith.constant 0 : i32
        %dma_wait3A_195 = arith.constant 0 : i32
        %dma_wait3A_196 = tpu.memref_slice %arg11[%dma_wait3A_194, %dma_wait3A_195] : memref<10240x64xf32, #tpu.memory_space<vmem_shared>> -> memref<10240x64xf32, #tpu.memory_space<vmem_shared>>
        tpu.wait_indirect_dma semaphore(%arg15 : memref<!tpu.dma_semaphore, #tpu.memory_space<semaphore_mem>>) src(%dma_wait3A_190 : memref<128x64xf32, #tpu.memory_space<vmem>>) dst(%dma_wait3A_196 : memref<10240x64xf32, #tpu.memory_space<vmem_shared>>)
      } else {
      }
      %add3A_167 = arith.constant 1 : i32
      %add3A_168 = arith.addi %add3A_148, %add3A_167 : i32
      %lt3A_169 = arith.constant 78 : i32
      %lt3A_170 = arith.cmpi slt, %add3A_168, %lt3A_169 : i32
      %convert_element_type3A_171 = arith.extui %lt3A_170 : i1 to i32
      %cond3A_172 = arith.constant 0 : i32
      %cond3A_173 = arith.cmpi ne, %convert_element_type3A_171, %cond3A_172 : i32
      scf.if %cond3A_173 {
        %add3A_185 = arith.constant 1 : i32
        %add3A_186 = arith.addi %add3A_148, %add3A_185 : i32
        %dma_start3A_187 = arith.constant 0 : i32
        %dma_start3A_188 = arith.constant 0 : i32
        %dma_start3A_189 = arith.constant 0 : i32
        %dma_start3A_190 = tpu.memref_slice %arg9[%dma_start3A_187, %dma_start3A_188, %dma_start3A_189] : memref<3x128x64xf32, #tpu.memory_space<vmem>> -> memref<1x128x64xf32, #tpu.memory_space<vmem>>
        %dma_start3A_191 = tpu.memref_squeeze %dma_start3A_190 : memref<1x128x64xf32, #tpu.memory_space<vmem>> -> memref<128x64xf32, #tpu.memory_space<vmem>>
        %dma_start3A_192 = arith.constant 0 : i32
        %dma_start3A_193 = tpu.memref_slice %arg7[%add3A_186, %dma_start3A_192] : memref<79x128xi32, #tpu.memory_space<vmem>> -> memref<1x128xi32, #tpu.memory_space<vmem>>
        %dma_start3A_194 = tpu.memref_squeeze %dma_start3A_193 : memref<1x128xi32, #tpu.memory_space<vmem>> -> memref<128xi32, #tpu.memory_space<vmem>>
        %dma_start3A_195 = arith.constant 0 : i32
        %dma_start3A_196 = arith.constant 0 : i32
        %dma_start3A_197 = tpu.memref_slice %arg10[%dma_start3A_195, %dma_start3A_196] : memref<10240x64xf32, #tpu.memory_space<vmem_shared>> -> memref<10240x64xf32, #tpu.memory_space<vmem_shared>>
        tpu.enqueue_indirect_dma source(%dma_start3A_197 : memref<10240x64xf32, #tpu.memory_space<vmem_shared>>) target(%dma_start3A_191 : memref<128x64xf32, #tpu.memory_space<vmem>>) offsets(%dma_start3A_194 : memref<128xi32, #tpu.memory_space<vmem>>) semaphore(%arg12 : memref<!tpu.dma_semaphore, #tpu.memory_space<semaphore_mem>>)
      } else {
      }
      %dma_start3A_174 = arith.constant 2 : i32
      %dma_start3A_175 = arith.constant 0 : i32
      %dma_start3A_176 = arith.constant 0 : i32
      %dma_start3A_177 = tpu.memref_slice %arg9[%dma_start3A_174, %dma_start3A_175, %dma_start3A_176] : memref<3x128x64xf32, #tpu.memory_space<vmem>> -> memref<1x128x64xf32, #tpu.memory_space<vmem>>
      %dma_start3A_178 = tpu.memref_squeeze %dma_start3A_177 : memref<1x128x64xf32, #tpu.memory_space<vmem>> -> memref<128x64xf32, #tpu.memory_space<vmem>>
      %dma_start3A_179 = arith.constant 0 : i32
      %dma_start3A_180 = tpu.memref_slice %arg8[%add3A_148, %dma_start3A_179] : memref<79x128xi32, #tpu.memory_space<vmem>> -> memref<1x128xi32, #tpu.memory_space<vmem>>
      %dma_start3A_181 = tpu.memref_squeeze %dma_start3A_180 : memref<1x128xi32, #tpu.memory_space<vmem>> -> memref<128xi32, #tpu.memory_space<vmem>>
      %dma_start3A_182 = arith.constant 0 : i32
      %dma_start3A_183 = arith.constant 0 : i32
      %dma_start3A_184 = tpu.memref_slice %arg11[%dma_start3A_182, %dma_start3A_183] : memref<10240x64xf32, #tpu.memory_space<vmem_shared>> -> memref<10240x64xf32, #tpu.memory_space<vmem_shared>>
      tpu.enqueue_indirect_dma source(%dma_start3A_178 : memref<128x64xf32, #tpu.memory_space<vmem>>) target(%dma_start3A_184 : memref<10240x64xf32, #tpu.memory_space<vmem_shared>>) offsets(%dma_start3A_181 : memref<128xi32, #tpu.memory_space<vmem>>) semaphore(%arg17 : memref<!tpu.dma_semaphore, #tpu.memory_space<semaphore_mem>>) {add = true}
    }
    %scan3A_28 = arith.constant 26 : i32
    %dma_wait3A = arith.constant 1 : i32
    %dma_wait3A_29 = arith.constant 0 : i32
    %dma_wait3A_30 = arith.constant 0 : i32
    %dma_wait3A_31 = arith.constant 0 : i32
    %dma_wait3A_32 = tpu.memref_slice %arg9[%dma_wait3A, %dma_wait3A_30, %dma_wait3A_31] : memref<3x128x64xf32, #tpu.memory_space<vmem>> -> memref<1x128x64xf32, #tpu.memory_space<vmem>>
    %dma_wait3A_33 = tpu.memref_squeeze %dma_wait3A_32 : memref<1x128x64xf32, #tpu.memory_space<vmem>> -> memref<128x64xf32, #tpu.memory_space<vmem>>
    %dma_wait3A_34 = arith.constant 0 : i32
    %dma_wait3A_35 = tpu.memref_slice %arg8[%dma_wait3A_29, %dma_wait3A_34] : memref<79x128xi32, #tpu.memory_space<vmem>> -> memref<1x128xi32, #tpu.memory_space<vmem>>
    %dma_wait3A_36 = tpu.memref_squeeze %dma_wait3A_35 : memref<1x128xi32, #tpu.memory_space<vmem>> -> memref<128xi32, #tpu.memory_space<vmem>>
    %dma_wait3A_37 = arith.constant 0 : i32
    %dma_wait3A_38 = arith.constant 0 : i32
    %dma_wait3A_39 = tpu.memref_slice %arg11[%dma_wait3A_37, %dma_wait3A_38] : memref<10240x64xf32, #tpu.memory_space<vmem_shared>> -> memref<10240x64xf32, #tpu.memory_space<vmem_shared>>
    tpu.wait_indirect_dma semaphore(%arg16 : memref<!tpu.dma_semaphore, #tpu.memory_space<semaphore_mem>>) src(%dma_wait3A_33 : memref<128x64xf32, #tpu.memory_space<vmem>>) dst(%dma_wait3A_39 : memref<10240x64xf32, #tpu.memory_space<vmem_shared>>)
    %dma_wait3A_40 = arith.constant 2 : i32
    %dma_wait3A_41 = arith.constant 0 : i32
    %dma_wait3A_42 = arith.constant 0 : i32
    %dma_wait3A_43 = arith.constant 0 : i32
    %dma_wait3A_44 = tpu.memref_slice %arg9[%dma_wait3A_40, %dma_wait3A_42, %dma_wait3A_43] : memref<3x128x64xf32, #tpu.memory_space<vmem>> -> memref<1x128x64xf32, #tpu.memory_space<vmem>>
    %dma_wait3A_45 = tpu.memref_squeeze %dma_wait3A_44 : memref<1x128x64xf32, #tpu.memory_space<vmem>> -> memref<128x64xf32, #tpu.memory_space<vmem>>
    %dma_wait3A_46 = arith.constant 0 : i32
    %dma_wait3A_47 = tpu.memref_slice %arg8[%dma_wait3A_41, %dma_wait3A_46] : memref<79x128xi32, #tpu.memory_space<vmem>> -> memref<1x128xi32, #tpu.memory_space<vmem>>
    %dma_wait3A_48 = tpu.memref_squeeze %dma_wait3A_47 : memref<1x128xi32, #tpu.memory_space<vmem>> -> memref<128xi32, #tpu.memory_space<vmem>>
    %dma_wait3A_49 = arith.constant 0 : i32
    %dma_wait3A_50 = arith.constant 0 : i32
    %dma_wait3A_51 = tpu.memref_slice %arg11[%dma_wait3A_49, %dma_wait3A_50] : memref<10240x64xf32, #tpu.memory_space<vmem_shared>> -> memref<10240x64xf32, #tpu.memory_space<vmem_shared>>
    tpu.wait_indirect_dma semaphore(%arg17 : memref<!tpu.dma_semaphore, #tpu.memory_space<semaphore_mem>>) src(%dma_wait3A_45 : memref<128x64xf32, #tpu.memory_space<vmem>>) dst(%dma_wait3A_51 : memref<10240x64xf32, #tpu.memory_space<vmem_shared>>)
    %lt3A_52 = arith.constant 4 : i32
    %lt3A_53 = arith.cmpi slt, %add3A, %lt3A_52 : i32
    %convert_element_type3A_54 = arith.extui %lt3A_53 : i1 to i32
    %cond3A_55 = arith.constant 0 : i32
    %cond3A_56 = arith.cmpi ne, %convert_element_type3A_54, %cond3A_55 : i32
    scf.if %cond3A_56 {
      %dma_start3A_65 = arith.constant 78 : i32
      %dma_start3A_66 = arith.constant 0 : i32
      %dma_start3A_67 = arith.constant 0 : i32
      %dma_start3A_68 = arith.constant 0 : i32
      %dma_start3A_69 = tpu.memref_slice %arg9[%dma_start3A_66, %dma_start3A_67, %dma_start3A_68] : memref<3x128x64xf32, #tpu.memory_space<vmem>> -> memref<1x128x64xf32, #tpu.memory_space<vmem>>
      %dma_start3A_70 = tpu.memref_squeeze %dma_start3A_69 : memref<1x128x64xf32, #tpu.memory_space<vmem>> -> memref<128x64xf32, #tpu.memory_space<vmem>>
      %dma_start3A_71 = arith.constant 0 : i32
      %dma_start3A_72 = tpu.memref_slice %arg7[%dma_start3A_65, %dma_start3A_71] : memref<79x128xi32, #tpu.memory_space<vmem>> -> memref<1x128xi32, #tpu.memory_space<vmem>>
      %dma_start3A_73 = tpu.memref_squeeze %dma_start3A_72 : memref<1x128xi32, #tpu.memory_space<vmem>> -> memref<128xi32, #tpu.memory_space<vmem>>
      %dma_start3A_74 = arith.constant 0 : i32
      %dma_start3A_75 = arith.constant 0 : i32
      %dma_start3A_76 = tpu.memref_slice %arg10[%dma_start3A_74, %dma_start3A_75] : memref<10240x64xf32, #tpu.memory_space<vmem_shared>> -> memref<10240x64xf32, #tpu.memory_space<vmem_shared>>
      tpu.enqueue_indirect_dma source(%dma_start3A_76 : memref<10240x64xf32, #tpu.memory_space<vmem_shared>>) target(%dma_start3A_70 : memref<128x64xf32, #tpu.memory_space<vmem>>) offsets(%dma_start3A_73 : memref<128xi32, #tpu.memory_space<vmem>>) semaphore(%arg12 : memref<!tpu.dma_semaphore, #tpu.memory_space<semaphore_mem>>)
      %dma_wait3A_77 = arith.constant 78 : i32
      %dma_wait3A_78 = arith.constant 0 : i32
      %dma_wait3A_79 = arith.constant 0 : i32
      %dma_wait3A_80 = arith.constant 0 : i32
      %dma_wait3A_81 = tpu.memref_slice %arg9[%dma_wait3A_78, %dma_wait3A_79, %dma_wait3A_80] : memref<3x128x64xf32, #tpu.memory_space<vmem>> -> memref<1x128x64xf32, #tpu.memory_space<vmem>>
      %dma_wait3A_82 = tpu.memref_squeeze %dma_wait3A_81 : memref<1x128x64xf32, #tpu.memory_space<vmem>> -> memref<128x64xf32, #tpu.memory_space<vmem>>
      %dma_wait3A_83 = arith.constant 0 : i32
      %dma_wait3A_84 = tpu.memref_slice %arg7[%dma_wait3A_77, %dma_wait3A_83] : memref<79x128xi32, #tpu.memory_space<vmem>> -> memref<1x128xi32, #tpu.memory_space<vmem>>
      %dma_wait3A_85 = tpu.memref_squeeze %dma_wait3A_84 : memref<1x128xi32, #tpu.memory_space<vmem>> -> memref<128xi32, #tpu.memory_space<vmem>>
      %dma_wait3A_86 = arith.constant 0 : i32
      %dma_wait3A_87 = arith.constant 0 : i32
      %dma_wait3A_88 = tpu.memref_slice %arg10[%dma_wait3A_86, %dma_wait3A_87] : memref<10240x64xf32, #tpu.memory_space<vmem_shared>> -> memref<10240x64xf32, #tpu.memory_space<vmem_shared>>
      tpu.wait_indirect_dma semaphore(%arg12 : memref<!tpu.dma_semaphore, #tpu.memory_space<semaphore_mem>>) src(%dma_wait3A_88 : memref<10240x64xf32, #tpu.memory_space<vmem_shared>>) dst(%dma_wait3A_82 : memref<128x64xf32, #tpu.memory_space<vmem>>)
      %run_scoped3A = arith.constant 0 : i32
      %run_scoped3A_89 = arith.constant 78 : i32
      "tpu.region"() ({
        %run_scoped3A_90 = tpu.sem_alloc : memref<!tpu.dma_semaphore, #tpu.memory_space<semaphore_mem>>
        %dma_start3A_91 = arith.constant 0 : i32
        %dma_start3A_92 = arith.constant 0 : i32
        %dma_start3A_93 = tpu.memref_slice %arg9[%run_scoped3A, %dma_start3A_91, %dma_start3A_92] : memref<3x128x64xf32, #tpu.memory_space<vmem>> -> memref<1x128x64xf32, #tpu.memory_space<vmem>>
        %dma_start3A_94 = tpu.memref_squeeze %dma_start3A_93 : memref<1x128x64xf32, #tpu.memory_space<vmem>> -> memref<128x64xf32, #tpu.memory_space<vmem>>
        %dma_start3A_95 = arith.constant 0 : i32
        %dma_start3A_96 = tpu.memref_slice %arg8[%run_scoped3A_89, %dma_start3A_95] : memref<79x128xi32, #tpu.memory_space<vmem>> -> memref<1x128xi32, #tpu.memory_space<vmem>>
        %dma_start3A_97 = tpu.memref_squeeze %dma_start3A_96 : memref<1x128xi32, #tpu.memory_space<vmem>> -> memref<128xi32, #tpu.memory_space<vmem>>
        %dma_start3A_98 = arith.constant 0 : i32
        %dma_start3A_99 = arith.constant 0 : i32
        %dma_start3A_100 = tpu.memref_slice %arg11[%dma_start3A_98, %dma_start3A_99] : memref<10240x64xf32, #tpu.memory_space<vmem_shared>> -> memref<10240x64xf32, #tpu.memory_space<vmem_shared>>
        tpu.enqueue_indirect_dma source(%dma_start3A_94 : memref<128x64xf32, #tpu.memory_space<vmem>>) target(%dma_start3A_100 : memref<10240x64xf32, #tpu.memory_space<vmem_shared>>) offsets(%dma_start3A_97 : memref<128xi32, #tpu.memory_space<vmem>>) semaphore(%run_scoped3A_90 : memref<!tpu.dma_semaphore, #tpu.memory_space<semaphore_mem>>) {add = true}
        %dma_wait3A_101 = arith.constant 0 : i32
        %dma_wait3A_102 = arith.constant 0 : i32
        %dma_wait3A_103 = tpu.memref_slice %arg9[%run_scoped3A, %dma_wait3A_101, %dma_wait3A_102] : memref<3x128x64xf32, #tpu.memory_space<vmem>> -> memref<1x128x64xf32, #tpu.memory_space<vmem>>
        %dma_wait3A_104 = tpu.memref_squeeze %dma_wait3A_103 : memref<1x128x64xf32, #tpu.memory_space<vmem>> -> memref<128x64xf32, #tpu.memory_space<vmem>>
        %dma_wait3A_105 = arith.constant 0 : i32
        %dma_wait3A_106 = tpu.memref_slice %arg8[%run_scoped3A_89, %dma_wait3A_105] : memref<79x128xi32, #tpu.memory_space<vmem>> -> memref<1x128xi32, #tpu.memory_space<vmem>>
        %dma_wait3A_107 = tpu.memref_squeeze %dma_wait3A_106 : memref<1x128xi32, #tpu.memory_space<vmem>> -> memref<128xi32, #tpu.memory_space<vmem>>
        %dma_wait3A_108 = arith.constant 0 : i32
        %dma_wait3A_109 = arith.constant 0 : i32
        %dma_wait3A_110 = tpu.memref_slice %arg11[%dma_wait3A_108, %dma_wait3A_109] : memref<10240x64xf32, #tpu.memory_space<vmem_shared>> -> memref<10240x64xf32, #tpu.memory_space<vmem_shared>>
        tpu.wait_indirect_dma semaphore(%run_scoped3A_90 : memref<!tpu.dma_semaphore, #tpu.memory_space<semaphore_mem>>) src(%dma_wait3A_104 : memref<128x64xf32, #tpu.memory_space<vmem>>) dst(%dma_wait3A_110 : memref<10240x64xf32, #tpu.memory_space<vmem_shared>>)
        tpu.yield
      }) : () -> ()
    } else {
    }
    %barrier3A_57 = arith.constant 0 : index
    tpu.barrier barrier_id(%barrier3A_57)
    %mul3A_58 = arith.constant 640 : i32
    %mul3A_59 = arith.muli %arg1, %mul3A_58 : i32
    %mul3A_60 = arith.constant 10240 : i32
    %mul3A_61 = arith.muli %arg0, %mul3A_60 : i32
    %mul3A_62 = arith.constant 640 : i32
    %mul3A_63 = arith.muli %arg1, %mul3A_62 : i32
    %add3A_64 = arith.addi %mul3A_61, %mul3A_63 : i32
    "tpu.region"() ({
      %run_scoped3A = tpu.sem_alloc : memref<!tpu.dma_semaphore, #tpu.memory_space<semaphore_mem>>
      %dma_start3A_65 = arith.constant 0 : i32
      %dma_start3A_66 = tpu.memref_slice %arg6[%add3A_64, %dma_start3A_65] : memref<20480x64xf32, #tpu.memory_space<hbm>> -> memref<640x64xf32, #tpu.memory_space<hbm>>
      %dma_start3A_67 = arith.constant 0 : i32
      %dma_start3A_68 = tpu.memref_slice %arg11[%mul3A_59, %dma_start3A_67] : memref<10240x64xf32, #tpu.memory_space<vmem_shared>> -> memref<640x64xf32, #tpu.memory_space<vmem_shared>>
      tpu.enqueue_dma source(%dma_start3A_68 : memref<640x64xf32, #tpu.memory_space<vmem_shared>>) target(%dma_start3A_66 : memref<640x64xf32, #tpu.memory_space<hbm>>) target_semaphore(%run_scoped3A : memref<!tpu.dma_semaphore, #tpu.memory_space<semaphore_mem>>)
      %dma_wait3A_69 = arith.constant 0 : i32
      %dma_wait3A_70 = tpu.memref_slice %arg6[%add3A_64, %dma_wait3A_69] : memref<20480x64xf32, #tpu.memory_space<hbm>> -> memref<640x64xf32, #tpu.memory_space<hbm>>
      %dma_wait3A_71 = arith.constant 0 : i32
      %dma_wait3A_72 = tpu.memref_slice %arg11[%mul3A_59, %dma_wait3A_71] : memref<10240x64xf32, #tpu.memory_space<vmem_shared>> -> memref<640x64xf32, #tpu.memory_space<vmem_shared>>
      tpu.wait_dma2 semaphore(%run_scoped3A : memref<!tpu.dma_semaphore, #tpu.memory_space<semaphore_mem>>) src(%dma_wait3A_72 : memref<640x64xf32, #tpu.memory_space<vmem_shared>>) dst(%dma_wait3A_70 : memref<640x64xf32, #tpu.memory_space<hbm>>)
      tpu.yield
    }) : () -> ()
    return
  }
}

module attributes {stable_mosaic.version = 14 : i64} {
  func.func @_tc_a_body(%arg0: i32, %arg1: memref<2048x128xf32, #tpu.memory_space<vmem>>, %arg2: memref<128x64xf32, #tpu.memory_space<vmem>>, %arg3: memref<128x64xf32, #tpu.memory_space<vmem>>, %arg4: memref<2048x64xf32, #tpu.memory_space<vmem>>, %arg5: memref<2048x64xf32, #tpu.memory_space<vmem>>) attributes {dimension_semantics = [#tpu.dimension_semantics<arbitrary>], iteration_bounds = array<i64: 5>, scalar_prefetch = 0 : i64, scratch_operands = 0 : i64, tpu.core_type = #tpu.core_type<tc>, window_params = [{transform_indices = @transform_0, window_bounds = array<i64: 2048, 128>}, {pipeline_mode = #tpu.pipeline_mode<synchronous>, transform_indices = @transform_1, window_bounds = array<i64: 128, 64>}, {pipeline_mode = #tpu.pipeline_mode<synchronous>, transform_indices = @transform_2, window_bounds = array<i64: 128, 64>}, {transform_indices = @transform_3, window_bounds = array<i64: 2048, 64>}, {transform_indices = @transform_4, window_bounds = array<i64: 2048, 64>}]} {
    %get3A = arith.constant 0 : index
    %get3A_0 = arith.constant 0 : index
    %get3A_1 = vector.load %arg1[%get3A, %get3A_0] : memref<2048x128xf32, #tpu.memory_space<vmem>>, vector<2048x128xf32>
    %get3A_2 = arith.constant 0 : index
    %get3A_3 = arith.constant 0 : index
    %get3A_4 = vector.load %arg2[%get3A_2, %get3A_3] : memref<128x64xf32, #tpu.memory_space<vmem>>, vector<128x64xf32>
    %dot_general3A = arith.constant dense<0.000000e+00> : vector<2048x64xf32>
    %dot_general3A_5 = tpu.matmul %get3A_1, %get3A_4, %dot_general3A {dimension_numbers = #tpu.dot_dimension_numbers<[1], [0], [0], [1], [0, 0, 1, 1], [], []>, transpose_lhs_hint = false} : vector<2048x128xf32>, vector<128x64xf32>, vector<2048x64xf32> -> vector<2048x64xf32>
    %swap3A = arith.constant 0 : index
    %swap3A_6 = arith.constant 0 : index
    %swap3A_7 = vector.load %arg4[%swap3A, %swap3A_6] : memref<2048x64xf32, #tpu.memory_space<vmem>>, vector<2048x64xf32>
    tpu.vector_store %arg4[%swap3A, %swap3A_6], %dot_general3A_5 {strides = array<i32>} : memref<2048x64xf32, #tpu.memory_space<vmem>>, vector<2048x64xf32>,
    %get3A_8 = arith.constant 0 : index
    %get3A_9 = arith.constant 0 : index
    %get3A_10 = vector.load %arg3[%get3A_8, %get3A_9] : memref<128x64xf32, #tpu.memory_space<vmem>>, vector<128x64xf32>
    %dot_general3A_11 = arith.constant dense<0.000000e+00> : vector<2048x64xf32>
    %dot_general3A_12 = tpu.matmul %get3A_1, %get3A_10, %dot_general3A_11 {dimension_numbers = #tpu.dot_dimension_numbers<[1], [0], [0], [1], [0, 0, 1, 1], [], []>, transpose_lhs_hint = false} : vector<2048x128xf32>, vector<128x64xf32>, vector<2048x64xf32> -> vector<2048x64xf32>
    %swap3A_13 = arith.constant 0 : index
    %swap3A_14 = arith.constant 0 : index
    %swap3A_15 = vector.load %arg5[%swap3A_13, %swap3A_14] : memref<2048x64xf32, #tpu.memory_space<vmem>>, vector<2048x64xf32>
    tpu.vector_store %arg5[%swap3A_13, %swap3A_14], %dot_general3A_12 {strides = array<i32>} : memref<2048x64xf32, #tpu.memory_space<vmem>>, vector<2048x64xf32>,
    return
  }
  func.func @transform_0(%arg0: i32) -> (i32, i32) {
    %c0_i32 = arith.constant 0 : i32
    %c0_i32_0 = arith.constant 0 : i32
    return %arg0, %c0_i32 : i32, i32
  }
  func.func @transform_1(%arg0: i32) -> (i32, i32) {
    %c0_i32 = arith.constant 0 : i32
    %c0_i32_0 = arith.constant 0 : i32
    %c0_i32_1 = arith.constant 0 : i32
    return %c0_i32, %c0_i32_0 : i32, i32
  }
  func.func @transform_2(%arg0: i32) -> (i32, i32) {
    %c0_i32 = arith.constant 0 : i32
    %c0_i32_0 = arith.constant 0 : i32
    %c0_i32_1 = arith.constant 0 : i32
    return %c0_i32, %c0_i32_0 : i32, i32
  }
  func.func @transform_3(%arg0: i32) -> (i32, i32) {
    %c0_i32 = arith.constant 0 : i32
    %c0_i32_0 = arith.constant 0 : i32
    return %arg0, %c0_i32 : i32, i32
  }
  func.func @transform_4(%arg0: i32) -> (i32, i32) {
    %c0_i32 = arith.constant 0 : i32
    %c0_i32_0 = arith.constant 0 : i32
    return %arg0, %c0_i32 : i32, i32
  }
}

module attributes {stable_mosaic.version = 14 : i64} {
  func.func @_tc_c_body(%arg0: i32, %arg1: memref<2048x64xf32, #tpu.memory_space<vmem>>, %arg2: memref<2048x64xf32, #tpu.memory_space<vmem>>, %arg3: memref<2048x16xf32, #tpu.memory_space<vmem>>, %arg4: memref<2048x16xf32, #tpu.memory_space<vmem>>, %arg5: memref<2048x64xf32, #tpu.memory_space<vmem>>, %arg6: memref<1x64xf32, #tpu.memory_space<vmem>>, %arg7: memref<64x64xf32, #tpu.memory_space<vmem>>, %arg8: memref<1x64xf32, #tpu.memory_space<vmem>>, %arg9: memref<64x4xf32, #tpu.memory_space<vmem>>, %arg10: memref<1x4xf32, #tpu.memory_space<vmem>>, %arg11: memref<2048x4xf32, #tpu.memory_space<vmem>>) attributes {dimension_semantics = [#tpu.dimension_semantics<arbitrary>], iteration_bounds = array<i64: 5>, scalar_prefetch = 0 : i64, scratch_operands = 0 : i64, tpu.core_type = #tpu.core_type<tc>, window_params = [{transform_indices = @transform_0, window_bounds = array<i64: 2048, 64>}, {transform_indices = @transform_1, window_bounds = array<i64: 2048, 64>}, {transform_indices = @transform_2, window_bounds = array<i64: 2048, 16>}, {transform_indices = @transform_3, window_bounds = array<i64: 2048, 16>}, {transform_indices = @transform_4, window_bounds = array<i64: 2048, 64>}, {pipeline_mode = #tpu.pipeline_mode<synchronous>, transform_indices = @transform_5, window_bounds = array<i64: 1, 64>}, {pipeline_mode = #tpu.pipeline_mode<synchronous>, transform_indices = @transform_6, window_bounds = array<i64: 64, 64>}, {pipeline_mode = #tpu.pipeline_mode<synchronous>, transform_indices = @transform_7, window_bounds = array<i64: 1, 64>}, {pipeline_mode = #tpu.pipeline_mode<synchronous>, transform_indices = @transform_8, window_bounds = array<i64: 64, 4>}, {pipeline_mode = #tpu.pipeline_mode<synchronous>, transform_indices = @transform_9, window_bounds = array<i64: 1, 4>}, {transform_indices = @transform_10, window_bounds = array<i64: 2048, 4>}]} {
    %get3A = arith.constant 0 : index
    %get3A_0 = arith.constant 0 : index
    %get3A_1 = vector.load %arg1[%get3A, %get3A_0] : memref<2048x64xf32, #tpu.memory_space<vmem>>, vector<2048x64xf32>
    %get3A_2 = arith.constant 0 : index
    %get3A_3 = arith.constant 0 : index
    %get3A_4 = vector.load %arg2[%get3A_2, %get3A_3] : memref<2048x64xf32, #tpu.memory_space<vmem>>, vector<2048x64xf32>
    %add3A = arith.addf %get3A_1, %get3A_4 : vector<2048x64xf32>
    %get3A_5 = arith.constant 0 : index
    %get3A_6 = arith.constant 0 : index
    %get3A_7 = vector.load %arg3[%get3A_5, %get3A_6] : memref<2048x16xf32, #tpu.memory_space<vmem>>, vector<2048x16xf32>
    %slice3A = vector.extract_strided_slice %get3A_7 {offsets = [0, 0], sizes = [2048, 1], strides = [1, 1]} : vector<2048x16xf32> to vector<2048x1xf32>
    %get3A_8 = arith.constant 0 : index
    %get3A_9 = arith.constant 0 : index
    %get3A_10 = vector.load %arg4[%get3A_8, %get3A_9] : memref<2048x16xf32, #tpu.memory_space<vmem>>, vector<2048x16xf32>
    %slice3A_11 = vector.extract_strided_slice %get3A_10 {offsets = [0, 0], sizes = [2048, 1], strides = [1, 1]} : vector<2048x16xf32> to vector<2048x1xf32>
    %add3A_12 = arith.addf %slice3A, %slice3A_11 : vector<2048x1xf32>
    %max3A = arith.constant 1.000000e+00 : f32
    %max3A_13 = vector.broadcast %max3A : f32 to vector<2048x1xf32>
    %max3A_14 = arith.maximumf %add3A_12, %max3A_13 : vector<2048x1xf32>
    %div3A = arith.constant 1.000000e+00 : f32
    %div3A_15 = vector.broadcast %div3A : f32 to vector<2048x1xf32>
    %div3A_16 = arith.divf %div3A_15, %max3A_14 : vector<2048x1xf32>
    %mul3A = vector.broadcast %div3A_16 : vector<2048x1xf32> to vector<2048x64xf32>
    %mul3A_17 = arith.mulf %add3A, %mul3A : vector<2048x64xf32>
    %get3A_18 = arith.constant 0 : index
    %get3A_19 = arith.constant 0 : index
    %get3A_20 = vector.load %arg6[%get3A_18, %get3A_19] : memref<1x64xf32, #tpu.memory_space<vmem>>, vector<1x64xf32>
    %add3A_21 = vector.broadcast %get3A_20 : vector<1x64xf32> to vector<2048x64xf32>
    %add3A_22 = arith.addf %mul3A_17, %add3A_21 : vector<2048x64xf32>
    %get3A_23 = arith.constant 0 : index
    %get3A_24 = arith.constant 0 : index
    %get3A_25 = vector.load %arg5[%get3A_23, %get3A_24] : memref<2048x64xf32, #tpu.memory_space<vmem>>, vector<2048x64xf32>
    %add3A_26 = arith.addf %add3A_22, %get3A_25 : vector<2048x64xf32>
    %max3A_27 = arith.constant 0.000000e+00 : f32
    %max3A_28 = vector.broadcast %max3A_27 : f32 to vector<2048x64xf32>
    %max3A_29 = arith.maximumf %add3A_26, %max3A_28 : vector<2048x64xf32>
    %get3A_30 = arith.constant 0 : index
    %get3A_31 = arith.constant 0 : index
    %get3A_32 = vector.load %arg7[%get3A_30, %get3A_31] : memref<64x64xf32, #tpu.memory_space<vmem>>, vector<64x64xf32>
    %dot_general3A = arith.constant dense<0.000000e+00> : vector<2048x64xf32>
    %dot_general3A_33 = tpu.matmul %max3A_29, %get3A_32, %dot_general3A {dimension_numbers = #tpu.dot_dimension_numbers<[1], [0], [0], [1], [0, 0, 1, 1], [], []>, transpose_lhs_hint = false} : vector<2048x64xf32>, vector<64x64xf32>, vector<2048x64xf32> -> vector<2048x64xf32>
    %get3A_34 = arith.constant 0 : index
    %get3A_35 = arith.constant 0 : index
    %get3A_36 = vector.load %arg8[%get3A_34, %get3A_35] : memref<1x64xf32, #tpu.memory_space<vmem>>, vector<1x64xf32>
    %add3A_37 = vector.broadcast %get3A_36 : vector<1x64xf32> to vector<2048x64xf32>
    %add3A_38 = arith.addf %dot_general3A_33, %add3A_37 : vector<2048x64xf32>
    %max3A_39 = arith.constant 0.000000e+00 : f32
    %max3A_40 = vector.broadcast %max3A_39 : f32 to vector<2048x64xf32>
    %max3A_41 = arith.maximumf %add3A_38, %max3A_40 : vector<2048x64xf32>
    %get3A_42 = arith.constant 0 : index
    %get3A_43 = arith.constant 0 : index
    %get3A_44 = vector.load %arg9[%get3A_42, %get3A_43] : memref<64x4xf32, #tpu.memory_space<vmem>>, vector<64x4xf32>
    %dot_general3A_45 = arith.constant dense<0.000000e+00> : vector<2048x4xf32>
    %dot_general3A_46 = tpu.matmul %max3A_41, %get3A_44, %dot_general3A_45 {dimension_numbers = #tpu.dot_dimension_numbers<[1], [0], [0], [1], [0, 0, 1, 1], [], []>, transpose_lhs_hint = false} : vector<2048x64xf32>, vector<64x4xf32>, vector<2048x4xf32> -> vector<2048x4xf32>
    %get3A_47 = arith.constant 0 : index
    %get3A_48 = arith.constant 0 : index
    %get3A_49 = vector.load %arg10[%get3A_47, %get3A_48] : memref<1x4xf32, #tpu.memory_space<vmem>>, vector<1x4xf32>
    %add3A_50 = vector.broadcast %get3A_49 : vector<1x4xf32> to vector<2048x4xf32>
    %add3A_51 = arith.addf %dot_general3A_46, %add3A_50 : vector<2048x4xf32>
    %swap3A = arith.constant 0 : index
    %swap3A_52 = arith.constant 0 : index
    %swap3A_53 = vector.load %arg11[%swap3A, %swap3A_52] : memref<2048x4xf32, #tpu.memory_space<vmem>>, vector<2048x4xf32>
    tpu.vector_store %arg11[%swap3A, %swap3A_52], %add3A_51 {strides = array<i32>} : memref<2048x4xf32, #tpu.memory_space<vmem>>, vector<2048x4xf32>,
    return
  }
  func.func @transform_0(%arg0: i32) -> (i32, i32) {
    %c0_i32 = arith.constant 0 : i32
    %c0_i32_0 = arith.constant 0 : i32
    return %arg0, %c0_i32 : i32, i32
  }
  func.func @transform_1(%arg0: i32) -> (i32, i32) {
    %add3A = arith.constant 5 : i32
    %add3A_0 = arith.addi %arg0, %add3A : i32
    %c0_i32 = arith.constant 0 : i32
    %c0_i32_1 = arith.constant 0 : i32
    return %add3A_0, %c0_i32 : i32, i32
  }
  func.func @transform_2(%arg0: i32) -> (i32, i32) {
    %c0_i32 = arith.constant 0 : i32
    %c0_i32_0 = arith.constant 0 : i32
    return %arg0, %c0_i32 : i32, i32
  }
  func.func @transform_3(%arg0: i32) -> (i32, i32) {
    %add3A = arith.constant 5 : i32
    %add3A_0 = arith.addi %arg0, %add3A : i32
    %c0_i32 = arith.constant 0 : i32
    %c0_i32_1 = arith.constant 0 : i32
    return %add3A_0, %c0_i32 : i32, i32
  }
  func.func @transform_4(%arg0: i32) -> (i32, i32) {
    %c0_i32 = arith.constant 0 : i32
    %c0_i32_0 = arith.constant 0 : i32
    return %arg0, %c0_i32 : i32, i32
  }
  func.func @transform_5(%arg0: i32) -> (i32, i32) {
    %c0_i32 = arith.constant 0 : i32
    %c0_i32_0 = arith.constant 0 : i32
    %c0_i32_1 = arith.constant 0 : i32
    return %c0_i32, %c0_i32_0 : i32, i32
  }
  func.func @transform_6(%arg0: i32) -> (i32, i32) {
    %c0_i32 = arith.constant 0 : i32
    %c0_i32_0 = arith.constant 0 : i32
    %c0_i32_1 = arith.constant 0 : i32
    return %c0_i32, %c0_i32_0 : i32, i32
  }
  func.func @transform_7(%arg0: i32) -> (i32, i32) {
    %c0_i32 = arith.constant 0 : i32
    %c0_i32_0 = arith.constant 0 : i32
    %c0_i32_1 = arith.constant 0 : i32
    return %c0_i32, %c0_i32_0 : i32, i32
  }
  func.func @transform_8(%arg0: i32) -> (i32, i32) {
    %c0_i32 = arith.constant 0 : i32
    %c0_i32_0 = arith.constant 0 : i32
    %c0_i32_1 = arith.constant 0 : i32
    return %c0_i32, %c0_i32_0 : i32, i32
  }
  func.func @transform_9(%arg0: i32) -> (i32, i32) {
    %c0_i32 = arith.constant 0 : i32
    %c0_i32_0 = arith.constant 0 : i32
    %c0_i32_1 = arith.constant 0 : i32
    return %c0_i32, %c0_i32_0 : i32, i32
  }
  func.func @transform_10(%arg0: i32) -> (i32, i32) {
    %c0_i32 = arith.constant 0 : i32
    %c0_i32_0 = arith.constant 0 : i32
    return %arg0, %c0_i32 : i32, i32
  }
}

module attributes {stable_mosaic.version = 14 : i64} {
  func.func @_tc_b_body(%arg0: i32, %arg1: memref<2048x64xf32, #tpu.memory_space<vmem>>, %arg2: memref<2048x64xf32, #tpu.memory_space<vmem>>, %arg3: memref<2048x16xf32, #tpu.memory_space<vmem>>, %arg4: memref<2048x16xf32, #tpu.memory_space<vmem>>, %arg5: memref<2048x64xf32, #tpu.memory_space<vmem>>, %arg6: memref<1x64xf32, #tpu.memory_space<vmem>>, %arg7: memref<64x64xf32, #tpu.memory_space<vmem>>, %arg8: memref<64x64xf32, #tpu.memory_space<vmem>>, %arg9: memref<2048x64xf32, #tpu.memory_space<vmem>>, %arg10: memref<2048x64xf32, #tpu.memory_space<vmem>>) attributes {dimension_semantics = [#tpu.dimension_semantics<arbitrary>], iteration_bounds = array<i64: 5>, scalar_prefetch = 0 : i64, scratch_operands = 0 : i64, tpu.core_type = #tpu.core_type<tc>, window_params = [{transform_indices = @transform_0, window_bounds = array<i64: 2048, 64>}, {transform_indices = @transform_1, window_bounds = array<i64: 2048, 64>}, {transform_indices = @transform_2, window_bounds = array<i64: 2048, 16>}, {transform_indices = @transform_3, window_bounds = array<i64: 2048, 16>}, {transform_indices = @transform_4, window_bounds = array<i64: 2048, 64>}, {pipeline_mode = #tpu.pipeline_mode<synchronous>, transform_indices = @transform_5, window_bounds = array<i64: 1, 64>}, {pipeline_mode = #tpu.pipeline_mode<synchronous>, transform_indices = @transform_6, window_bounds = array<i64: 64, 64>}, {pipeline_mode = #tpu.pipeline_mode<synchronous>, transform_indices = @transform_7, window_bounds = array<i64: 64, 64>}, {transform_indices = @transform_8, window_bounds = array<i64: 2048, 64>}, {transform_indices = @transform_9, window_bounds = array<i64: 2048, 64>}]} {
    %get3A = arith.constant 0 : index
    %get3A_0 = arith.constant 0 : index
    %get3A_1 = vector.load %arg1[%get3A, %get3A_0] : memref<2048x64xf32, #tpu.memory_space<vmem>>, vector<2048x64xf32>
    %get3A_2 = arith.constant 0 : index
    %get3A_3 = arith.constant 0 : index
    %get3A_4 = vector.load %arg2[%get3A_2, %get3A_3] : memref<2048x64xf32, #tpu.memory_space<vmem>>, vector<2048x64xf32>
    %add3A = arith.addf %get3A_1, %get3A_4 : vector<2048x64xf32>
    %get3A_5 = arith.constant 0 : index
    %get3A_6 = arith.constant 0 : index
    %get3A_7 = vector.load %arg3[%get3A_5, %get3A_6] : memref<2048x16xf32, #tpu.memory_space<vmem>>, vector<2048x16xf32>
    %slice3A = vector.extract_strided_slice %get3A_7 {offsets = [0, 0], sizes = [2048, 1], strides = [1, 1]} : vector<2048x16xf32> to vector<2048x1xf32>
    %get3A_8 = arith.constant 0 : index
    %get3A_9 = arith.constant 0 : index
    %get3A_10 = vector.load %arg4[%get3A_8, %get3A_9] : memref<2048x16xf32, #tpu.memory_space<vmem>>, vector<2048x16xf32>
    %slice3A_11 = vector.extract_strided_slice %get3A_10 {offsets = [0, 0], sizes = [2048, 1], strides = [1, 1]} : vector<2048x16xf32> to vector<2048x1xf32>
    %add3A_12 = arith.addf %slice3A, %slice3A_11 : vector<2048x1xf32>
    %max3A = arith.constant 1.000000e+00 : f32
    %max3A_13 = vector.broadcast %max3A : f32 to vector<2048x1xf32>
    %max3A_14 = arith.maximumf %add3A_12, %max3A_13 : vector<2048x1xf32>
    %div3A = arith.constant 1.000000e+00 : f32
    %div3A_15 = vector.broadcast %div3A : f32 to vector<2048x1xf32>
    %div3A_16 = arith.divf %div3A_15, %max3A_14 : vector<2048x1xf32>
    %mul3A = vector.broadcast %div3A_16 : vector<2048x1xf32> to vector<2048x64xf32>
    %mul3A_17 = arith.mulf %add3A, %mul3A : vector<2048x64xf32>
    %get3A_18 = arith.constant 0 : index
    %get3A_19 = arith.constant 0 : index
    %get3A_20 = vector.load %arg6[%get3A_18, %get3A_19] : memref<1x64xf32, #tpu.memory_space<vmem>>, vector<1x64xf32>
    %add3A_21 = vector.broadcast %get3A_20 : vector<1x64xf32> to vector<2048x64xf32>
    %add3A_22 = arith.addf %mul3A_17, %add3A_21 : vector<2048x64xf32>
    %get3A_23 = arith.constant 0 : index
    %get3A_24 = arith.constant 0 : index
    %get3A_25 = vector.load %arg5[%get3A_23, %get3A_24] : memref<2048x64xf32, #tpu.memory_space<vmem>>, vector<2048x64xf32>
    %add3A_26 = arith.addf %add3A_22, %get3A_25 : vector<2048x64xf32>
    %max3A_27 = arith.constant 0.000000e+00 : f32
    %max3A_28 = vector.broadcast %max3A_27 : f32 to vector<2048x64xf32>
    %max3A_29 = arith.maximumf %add3A_26, %max3A_28 : vector<2048x64xf32>
    %get3A_30 = arith.constant 0 : index
    %get3A_31 = arith.constant 0 : index
    %get3A_32 = vector.load %arg7[%get3A_30, %get3A_31] : memref<64x64xf32, #tpu.memory_space<vmem>>, vector<64x64xf32>
    %dot_general3A = arith.constant dense<0.000000e+00> : vector<2048x64xf32>
    %dot_general3A_33 = tpu.matmul %max3A_29, %get3A_32, %dot_general3A {dimension_numbers = #tpu.dot_dimension_numbers<[1], [0], [0], [1], [0, 0, 1, 1], [], []>, transpose_lhs_hint = false} : vector<2048x64xf32>, vector<64x64xf32>, vector<2048x64xf32> -> vector<2048x64xf32>
    %swap3A = arith.constant 0 : index
    %swap3A_34 = arith.constant 0 : index
    %swap3A_35 = vector.load %arg9[%swap3A, %swap3A_34] : memref<2048x64xf32, #tpu.memory_space<vmem>>, vector<2048x64xf32>
    tpu.vector_store %arg9[%swap3A, %swap3A_34], %dot_general3A_33 {strides = array<i32>} : memref<2048x64xf32, #tpu.memory_space<vmem>>, vector<2048x64xf32>,
    %get3A_36 = arith.constant 0 : index
    %get3A_37 = arith.constant 0 : index
    %get3A_38 = vector.load %arg8[%get3A_36, %get3A_37] : memref<64x64xf32, #tpu.memory_space<vmem>>, vector<64x64xf32>
    %dot_general3A_39 = arith.constant dense<0.000000e+00> : vector<2048x64xf32>
    %dot_general3A_40 = tpu.matmul %max3A_29, %get3A_38, %dot_general3A_39 {dimension_numbers = #tpu.dot_dimension_numbers<[1], [0], [0], [1], [0, 0, 1, 1], [], []>, transpose_lhs_hint = false} : vector<2048x64xf32>, vector<64x64xf32>, vector<2048x64xf32> -> vector<2048x64xf32>
    %swap3A_41 = arith.constant 0 : index
    %swap3A_42 = arith.constant 0 : index
    %swap3A_43 = vector.load %arg10[%swap3A_41, %swap3A_42] : memref<2048x64xf32, #tpu.memory_space<vmem>>, vector<2048x64xf32>
    tpu.vector_store %arg10[%swap3A_41, %swap3A_42], %dot_general3A_40 {strides = array<i32>} : memref<2048x64xf32, #tpu.memory_space<vmem>>, vector<2048x64xf32>,
    return
  }
  func.func @transform_0(%arg0: i32) -> (i32, i32) {
    %c0_i32 = arith.constant 0 : i32
    %c0_i32_0 = arith.constant 0 : i32
    return %arg0, %c0_i32 : i32, i32
  }
  func.func @transform_1(%arg0: i32) -> (i32, i32) {
    %add3A = arith.constant 5 : i32
    %add3A_0 = arith.addi %arg0, %add3A : i32
    %c0_i32 = arith.constant 0 : i32
    %c0_i32_1 = arith.constant 0 : i32
    return %add3A_0, %c0_i32 : i32, i32
  }
  func.func @transform_2(%arg0: i32) -> (i32, i32) {
    %c0_i32 = arith.constant 0 : i32
    %c0_i32_0 = arith.constant 0 : i32
    return %arg0, %c0_i32 : i32, i32
  }
  func.func @transform_3(%arg0: i32) -> (i32, i32) {
    %add3A = arith.constant 5 : i32
    %add3A_0 = arith.addi %arg0, %add3A : i32
    %c0_i32 = arith.constant 0 : i32
    %c0_i32_1 = arith.constant 0 : i32
    return %add3A_0, %c0_i32 : i32, i32
  }
  func.func @transform_4(%arg0: i32) -> (i32, i32) {
    %c0_i32 = arith.constant 0 : i32
    %c0_i32_0 = arith.constant 0 : i32
    return %arg0, %c0_i32 : i32, i32
  }
  func.func @transform_5(%arg0: i32) -> (i32, i32) {
    %c0_i32 = arith.constant 0 : i32
    %c0_i32_0 = arith.constant 0 : i32
    %c0_i32_1 = arith.constant 0 : i32
    return %c0_i32, %c0_i32_0 : i32, i32
  }
  func.func @transform_6(%arg0: i32) -> (i32, i32) {
    %c0_i32 = arith.constant 0 : i32
    %c0_i32_0 = arith.constant 0 : i32
    %c0_i32_1 = arith.constant 0 : i32
    return %c0_i32, %c0_i32_0 : i32, i32
  }
  func.func @transform_7(%arg0: i32) -> (i32, i32) {
    %c0_i32 = arith.constant 0 : i32
    %c0_i32_0 = arith.constant 0 : i32
    %c0_i32_1 = arith.constant 0 : i32
    return %c0_i32, %c0_i32_0 : i32, i32
  }
  func.func @transform_8(%arg0: i32) -> (i32, i32) {
    %c0_i32 = arith.constant 0 : i32
    %c0_i32_0 = arith.constant 0 : i32
    return %arg0, %c0_i32 : i32, i32
  }
  func.func @transform_9(%arg0: i32) -> (i32, i32) {
    %c0_i32 = arith.constant 0 : i32
    %c0_i32_0 = arith.constant 0 : i32
    return %arg0, %c0_i32 : i32, i32
  }
}

</mosaic_0001>

<sc_bundles>
// kernel: kernel.11.cloned.1.call-start
scs
__scs_entry_jumppad:
0x0: {  	(pc) =	sbr.rel $0x88, $3  }
0x1: {  	(tag) =	ssettag $0x0;
	lr =	simm.s32 $0x1  }
0x2: {  	[smem:$0x3F95] =	sst lr;
	_ =	strace $0xD0000000  }
0x3: {  	_ = 	snop  }
0x4: {  	_ = 	snop  }
0x5: {  	_ = 	snop  }
0x6: {  	_ = 	snop  }
0x7: {  	_ = 	snop  }
__scs_overlays_trampoline_lowered:
0x8: {  	[smem:$0x3FA4] =	sst s0  }
0x9: {  	[smem:$0x3FA5] =	sst s1  }
0xa: {  	[smem:$0x3FA6] =	sst s2  }
0xb: {  	[smem:$0x3FA7] =	sst s3  }
0xc: {  	[smem:$0x3FA8] =	sst s4  }
0xd: {  	[smem:$0x3FA9] =	sst s5  }
0xe: {  	[smem:$0x3FAA] =	sst s6  }
0xf: {  	[smem:$0x3FAB] =	sst s7  }
0x10: {  	[smem:$0x3FAC] =	sst s8  }
0x11: {  	[smem:$0x3FAD] =	sst s9;
	s0 =	simm.s32 @!p0 $0x0  }
0x12: {  	s1 =	sld [smem:$0x3F93];
	s0 =	simm.s32 @p0 $0x1  }
0x13: {  	[smem:$0x3FAE] =	sst s0;
	s0 =	simm.s32 @!p1 $0x0  }
0x14: {  	s2 =	sld [smem:$0x3F92];
	s0 =	simm.s32 @p1 $0x1  }
0x15: {  	[smem:$0x3FAF] =	sst s0;
	s0 =	simm.s32 @!p2 $0x0  }
0x16: {  	s3 =	sld [smem:$0x3FDB];
	s0 =	simm.s32 @p2 $0x1  }
0x17: {  	s4 =	simm.s32 $0x1BF5;
	[smem:$0x3FB1] =	sst s0  }
0x18: {  	s0 =	sld [smem:$0x3F94];
	_ =	swait.ge [sflag:s4], $0x0  }
0x19: {  	s7 =	sld [smem:$0x3F95]  }
0x1a: {  	s8 =	sadd.s32 $0xFFFFE003, lr  }
0x1b: {  	s9 =	sadd.s32 $0xFFFFFEF7, lr;
	s5 =	simm.s32 $0xFFFFFFFF;
	p2 =	slt.u32 s8, $0xFFFFF086  }
0x1c: {  	p1 =	slt.u32 s9, $0xF7A;
	s5 =	simm.s32 @!p2 $0x0  }
0x1d: {  	s5 =	simm.s32 @p1 $0x1;
	p0 =	seq.s32 s7, s2  }
0x1e: {  	s7 =	smul.u32 @!p0 $0xF7A, s2;
	p2 =	seq.s32 @!p0 s5, $0x0  }
0x1f: {  	s9 =	smul.u32 $0xF7A, s1;
	s8 =	simm.s32 @!p0 $0x1BF5;
	p2 =	por !p2, p0  }
0x20: {  	[sflag:s8] =	ssyncset.s32 @!p0 $0xFFFFF086;
	s6 =	sadd.s32 @!p0 s3, s7;
	s7 =	simm.s32 @!p0 $0x108  }
0x21: {  	s3 =	sadd.s32 s3, s9;
	s6 =	sadd.s32 @!p0 $0x88, s6;
	s7 =	simm.s32 @p2 $0x1082  }
0x22: {  	[simem:s7], [sflag:s8] =	dma.local @!p0 [hbm:s6], $0xF7A  }
0x23: {  	s9 =	sor.u32 $0xD0000000, s2;
	s6 =	simm.s32 $0x108;
	_ =	swait.ge @!p0 [sflag:s8], $0x0  }
0x24: {  	s3 =	sadd.s32 $0x88, s3;
	s6 =	simm.s32 @!p1 $0x1082;
	[sflag:s4] =	ssyncset.s32 $0xFFFFF086  }
0x25: {  	[simem:s6], [sflag:s4] =	dma.local [hbm:s3], $0xF7A  }
0x26: {  	[smem:$0x3F95] =	sst s1;
	(tag) =	ssettag s2;
	_ =	strace s9  }
0x27: {  	s1 =	sld [smem:$0x3FA5]  }
0x28: {  	s2 =	sld [smem:$0x3FA6]  }
0x29: {  	s4 =	sld [smem:$0x3FA8]  }
0x2a: {  	p0 =	seq.s32 s5, $0x0;
	s5 =	sld [smem:$0x3FA9]  }
0x2b: {  	s6 =	sld [smem:$0x3FAA]  }
0x2c: {  	s7 =	sld [smem:$0x3FAB]  }
0x2d: {  	s3 =	simm.s32 $0x108;
	s8 =	sld [smem:$0x3FAC]  }
0x2e: {  	s3 =	simm.s32 @!p0 $0x1082;
	s9 =	sld [smem:$0x3FAD]  }
0x2f: {  	lr =	sadd.s32 s0, s3;
	s0 =	sld [smem:$0x3FA4]  }
0x30: {  	s3 =	sld [smem:$0x3FA7]  }
0x31: {  	[smem:$0x3FB0] =	sst s10  }
0x32: {  	s10 =	sld [smem:$0x3FAE];
	_ =	sdelay $0x3  }
0x33: {  	p0 =	seq.s32 s10, $0x1;
	s10 =	sld [smem:$0x3FB0];
	_ =	sdelay $0x3  }
0x34: {  	[smem:$0x3FB0] =	sst s10  }
0x35: {  	s10 =	sld [smem:$0x3FAF];
	_ =	sdelay $0x3  }
0x36: {  	p1 =	seq.s32 s10, $0x1;
	s10 =	sld [smem:$0x3FB0];
	_ =	sdelay $0x3  }
0x37: {  	[smem:$0x3FB0] =	sst s10  }
0x38: {  	s10 =	sld [smem:$0x3FB1]  }
0x39: {  	_ = 	snop;
	(pc) =	sbr.ind lr, $3  }
0x3a: {  	_ = 	snop  }
0x3b: {  	_ = 	snop  }
0x3c: {  	p2 =	seq.s32 s10, $0x1;
	s10 =	sld [smem:$0x3FB0]  }
0x3d: {  	_ =	shalt  }
0x3e: {  	_ =	shalt  }
0x3f: {  	_ =	shalt  }
0x40: {  	_ =	shalt  }
0x41: {  	_ =	shalt  }
0x42: {  	_ =	shalt  }
0x43: {  	_ =	shalt  }
0x44: {  	_ =	shalt  }
0x45: {  	_ =	shalt  }
0x46: {  	_ =	shalt  }
0x47: {  	_ =	shalt  }
0x48: {  	_ =	shalt  }
0x49: {  	_ =	shalt  }
0x4a: {  	_ =	shalt  }
0x4b: {  	_ =	shalt  }
0x4c: {  	_ =	shalt  }
0x4d: {  	_ =	shalt  }
0x4e: {  	_ =	shalt  }
0x4f: {  	_ =	shalt  }
0x50: {  	_ =	shalt  }
0x51: {  	_ =	shalt  }
0x52: {  	_ =	shalt  }
0x53: {  	_ =	shalt  }
0x54: {  	_ =	shalt  }
0x55: {  	_ =	shalt  }
0x56: {  	_ =	shalt  }
0x57: {  	_ =	shalt  }
0x58: {  	_ =	shalt  }
0x59: {  	_ =	shalt  }
0x5a: {  	_ =	shalt  }
0x5b: {  	_ =	shalt  }
0x5c: {  	_ =	shalt  }
0x5d: {  	_ =	shalt  }
0x5e: {  	_ =	shalt  }
0x5f: {  	_ =	shalt  }
0x60: {  	_ =	shalt  }
0x61: {  	_ =	shalt  }
0x62: {  	_ =	shalt  }
0x63: {  	_ =	shalt  }
0x64: {  	_ =	shalt  }
0x65: {  	_ =	shalt  }
0x66: {  	_ =	shalt  }
0x67: {  	_ =	shalt  }
0x68: {  	_ =	shalt  }
0x69: {  	_ =	shalt  }
0x6a: {  	_ =	shalt  }
0x6b: {  	_ =	shalt  }
0x6c: {  	_ =	shalt  }
0x6d: {  	_ =	shalt  }
0x6e: {  	_ =	shalt  }
0x6f: {  	_ =	shalt  }
0x70: {  	_ =	shalt  }
0x71: {  	_ =	shalt  }
0x72: {  	_ =	shalt  }
0x73: {  	_ =	shalt  }
0x74: {  	_ =	shalt  }
0x75: {  	_ =	shalt  }
0x76: {  	_ =	shalt  }
0x77: {  	_ =	shalt  }
0x78: {  	_ =	shalt  }
0x79: {  	_ =	shalt  }
0x7a: {  	_ =	shalt  }
0x7b: {  	_ =	shalt  }
0x7c: {  	_ =	shalt  }
0x7d: {  	_ =	shalt  }
0x7e: {  	_ =	shalt  }
0x7f: {  	_ =	shalt  }
0x80: {  	_ =	shalt  }
0x81: {  	_ =	shalt  }
0x82: {  	_ =	shalt  }
0x83: {  	_ =	shalt  }
0x84: {  	_ =	shalt  }
0x85: {  	_ =	shalt  }
0x86: {  	_ =	shalt  }
0x87: {  	_ =	shalt  }
.Lfunc_end0:
.L_simem_size_0:
called_computation.1_lowered:
.L_overlay_start_0:
0x88: {  	s2 =	sld [smem:$0x3FD9]  }
0x89: {  	s3 =	sld [smem:$0x3FFE];
	_ =	sdelay $0x1  }
0x8a: {  	s1 =	srdreg.scid  }
0x8b: {  	s0 =	sand.u32 $0x1, s1  }
0x8c: {  	s16 =	sshll.u32 s0, $0xA;
	s2 =	sadd.s32 s3, s2  }
0x8d: {  	s2 =	sadd.s32 s2, s16  }
0x8e: {  	[smem:$0x3FBC] =	sst s2  }
0x8f: {  	_ = 	snop  }
0x90: {  	(tm) =	ssettm $0x1  }
0x91: {  	s17 =	sld [smem:$0x3FFB];
	_ =	sdelay $0x3  }
0x92: {  	_ =	strace s17  }
0x93: {  	s2 =	sld [smem:$0x3FFC];
	_ =	sdelay $0x3  }
0x94: {  	_ =	strace s2  }
0x95: {  	s2 =	sld [smem:$0x3FFD];
	_ =	sdelay $0x3  }
0x96: {  	_ =	strace s2  }
0x97: {  	_ =	strace $0x8FFFFFFF  }
0x98: {  	s18 =	sld [smem:$0x3FDB];
	_ =	sdelay $0x1  }
0x99: {  	s19 =	simm.s32 $_scs_section_size  }
0x9a: {  	s4 =	simm.s32 $_size__tile_overlayer_lowered;
	s5 =	simm.s32 $_tile_overlayer_lowered  }
0x9b: {  	s22 =	simm.s32 $0x1BFF;
	s21 =	sshll.u32 s5, $0x1;
	s2 =	sadd.s32 s19, s18  }
0x9c: {  	s6 =	simm.s32 $0x0;
	s20 =	sshll.u32 s4, $0x1;
	s4 =	sadd.s32 s21, s2  }
0x9d: {  	[timem:s6], [sflag:s22] =	dma.local [hbm:s4], s20  }
0x9e: {  	_ =	swait.ge [sflag:s22], s20  }
0x9f: {  	s3 =	ssub.s32 $0x0, s20;
	[sflag:s22] =	ssyncset.done $0x0  }
0xa0: {  	[sflag:s22] =	ssyncadd.s32 s3;
	_ =	sdelay $0x1  }
0xa1: {  	s23 =	simm.s32 $0x1B8B  }
0xa2: {  	_ =	swait.ge [sflag:s23], $0x1  }
0xa3: {  	[sflag:s23] =	ssyncset.done $0x0  }
0xa4: {  	s25 =	simm.s32 $0x1B8E;
	s24 =	sld [smem:$0x3FFE];
	[sflag:s23] =	ssyncadd.s32 $0xFFFFFFFF  }
0xa5: {  	s26 =	simm.s32 $execute0_lowered;
	[smem:$0x3FD2] =	sst s25  }
0xa6: {  	s4 =	sshll.u32 s26, $0x1;
	_ =	strace $0x80000046;
	[dreg:$0x1] =	wrdreg $0xFFFFFFFF  }
0xa7: {  	s28 =	simm.s32 $_size_execute0_lowered;
	s2 =	sadd.s32 s2, s4;
	[dreg:$0x0] =	wrdreg $0x0  }
0xa8: {  	s4 =	sshll.u32 s28, $0x1;
	[dreg:$0x2] =	wrdreg s2  }
0xa9: {  	[dreg:$0x3] =	wrdreg s4  }
0xaa: {  	[dreg:$0x4] =	wrdreg $0xC0  }
0xab: {  	_ =	task [dreg:s6], $0x5FFFF  }
0xac: {  	[dreg:$0x1] =	wrdreg $0xFFFFFFFF  }
0xad: {  	[dreg:$0x0] =	wrdreg $0x60  }
0xae: {  	[dreg:$0x2] =	wrdreg s24  }
0xaf: {  	[dreg:$0x3] =	wrdreg $0xAF000  }
0xb0: {  	[dreg:$0x4] =	wrdreg $0x14F000  }
0xb1: {  	[dreg:$0x5] =	wrdreg $0xA  }
0xb2: {  	_ =	task.clear_ibuf [dreg:s6], $0x6FFFF;
	_ =	strace $0x90000046  }
0xb3: {  	s29 =	simm.s32 $0xA;
	_ =	strace $0x80000048  }
0xb4: {  	_ =	swait.ge [sflag:s29], $0x1  }
0xb5: {  	[sflag:s29] =	ssyncadd.s32 $0xFFFFFFFF  }
0xb6: {  	_ =	strace $0x90000048  }
0xb7: {  	_ =	sfence  }
0xb8: {  	s30 =	sld [smem:$0x0];
	_ =	sdelay $0x2  }
0xb9: {  	s31 =	sshll.u32 s1, $0xD;
	s1 =	sshrl.u32 s1, $0x2  }
0xba: {  	s3 =	sand.u32 $0x4000, s31;
	s1 =	sadd.s32 s1, s30  }
0xbb: {  	s0 =	sor.u32 s3, s0;
	s1 =	sshll.u32 s1, $0x11  }
0xbc: {  	s0 =	sor.u32 s1, s0  }
0xbd: {  	s0 =	sadd.s32 $0x8F2B, s0  }
0xbe: {  	[sflag:s0] =	ssyncadd.remote.s32 $0x1  }
0xbf: {  	_ =	sfence.sel $0xFFFF  }
0xc0: {  	[dreg:$0x0] =	wrdreg $0xFFFFFFFF;
	(pc) =	sbr.abs _section_cstart, $3  }
0xc1: {  	[dreg:$0x1] =	wrdreg $0xFFFFFFFF  }
0xc2: {  	_ =	task.clear_ibuf [dreg:s6], $0x2FFFF;
	_ =	strace $0x9FFFFFFF  }
0xc3: {  	(tm) =	ssettm $0x7FFFFFFF  }
tec
execute0_lowered:
.L_overlay_start_1:
0x0: {  	(tag) =	ssettag $0x1  }
0x1: {  	s0 =	rddreg [dreg:$0x0]  }
0x2: {  	s2 =	rddreg [dreg:$0x1]  }
0x3: {  	s3 =	rddreg [dreg:$0x2];
	s4 =	simm.s32 $0x0  }
0x4: {  	s15 =	stileid.u32;
	s1 =	srdreg.scid;
	s18 =	simm.s32 $0x80  }
0x5: {  	s19 =	simm.s32 $0x4F00;
	s20 =	simm.s32 $0x1;
	s21 =	simm.s32 $0x6F00  }
0x6: {  	s22 =	simm.s32 $0x2;
	s28 =	simm.s32 $0x4;
	s30 =	simm.s32 $0x2880  }
0x7: {  	s31 =	simm.s32 $0x5;
	[smem:$0x7FF] =	sst s4;
	s11 =	smul.u32 $0xA000, s15  }
0x8: {  	s1 =	sand.u32 $0x1, s1;
	s6 =	smul.u32 $0x1400, s15;
	s9 =	sadd.s32 $0xBC00, s0  }
0x9: {  	s12 =	sadd.s32 $0x1E00, s0;
	s29 =	sshll.u32 s15, $0x6;
	_ =	strace $0x80000047  }
0xa: {  	s5 =	sshll.u32 s1, $0x4;
	s8 =	smul.u32 $0x14000, s1;
	s1 =	ssub.s32 $0x2, s1  }
0xb: {  	s7 =	sshrl.u32 s11, $0x3;
	s13 =	sor.u32 s15, s5;
	s5 =	sadd.s32 $0x29A00, s0  }
0xc: {  	s25 =	sshrl.u32 s1, $0x1;
	s16 =	sadd.s32 s11, s2;
	s17 =	sadd.s32 s11, s3  }
0xd: {  	s15 =	sor.u32 $0x1C07, s29;
	s10 =	sadd.s32 s7, s0;
	s24 =	smul.u32 $0x4E, s13  }
0xe: {  	s14 =	smin.u32 s13, $0x4;
	s6 =	sadd.s32 s6, s8;
	s1 =	ssub.s32 s1, s25  }
0xf: {  	p0 =	sgt.u32 s13, $0x3;
	s13 =	simm.s32 $0x7;
	s16 =	sshrl.u32 s16, $0x3  }
0x10: {  	s17 =	sshrl.u32 s17, $0x3;
	s0 =	sadd.s32 s6, s0;
	s10 =	sadd.s32 $0x15A00, s10  }
.Ltmp0:
0x11: {  	s7 =	sadd.s32 s14, s24;
	s11 =	sadd.s32 $0x2AE00, s0;
	(pc) =	sbr.rel .LBB2_1-.Ltmp0, $4  }
0x12: {  	s14 =	simm.s32 $0x2780;
	s24 =	simm.s32 $0x8F00;
	s7 =	sshll.u32 s7, $0x4  }
0x13: {  	s0 =	simm.s32 $0x6;
	s6 =	sadd.s32 s9, s7;
	s26 =	sadd.s32 $0x4E0, s7  }
0x14: {  	s7 =	sadd.s32 s12, s7;
	s8 =	sadd.s32 s9, s26;
	s9 =	sadd.s32 s12, s26  }
0x15: {  	s12 =	smax.u32 s1, $0x1;
	s26 =	simm.s32 $0x3;
	s1 =	simm.s32 $0x0  }
.LBB2_4:
0x16: {  	[spmem:s3] =	stream.indirect.scatter.add.f32 [tilespmem:s24], [sflag:$0x6], $0x40, s29, s18, $0xb8;
	[tilespmem:$0x1EF00] =	vst v63  }
0x17: {  	_ =	swait.ge [sflag:s31], $0x2000  }
0x18: {  	[sflag:s31] =	ssyncset.done $0x0  }
0x19: {  	[sflag:s31] =	ssyncadd.s32 $0xFFFFE000  }
0x1a: {  	_ =	swait.ge [sflag:s0], $0x2000  }
0x1b: {  	s23 =	simm.s32 @!p0 $0x80;
	[sflag:s0] =	ssyncset.done $0x0  }
0x1c: {  	s25 =	simm.s32 @!p0 $0x2700;
	s29 =	simm.s32 @!p0 $0x4F00;
	[sflag:s0] =	ssyncadd.s32 $0xFFFFE000  }
0x1d: {  	[tilespmem:s29], [sflag:$0x1] =	stream.indirect.gather @!p0 [spmem:s2], $0x40, s25, s23, $0xb8;
	[tilespmem:$0x1EF00] =	vst v63  }
0x1e: {  	s25 =	simm.s32 @!p0 $0x1  }
0x1f: {  	_ =	swait.ge @!p0 [sflag:s25], $0x2000  }
0x20: {  	[sflag:s25] =	ssyncset.done @!p0 $0x0  }
0x21: {  	[sflag:s25] =	ssyncadd.s32 @!p0 $0xFFFFE000;
	s25 =	simm.s32 @!p0 $0x4E80  }
0x22: {  	[spmem:s3] =	stream.indirect.scatter.add.f32 @!p0 [tilespmem:s29], [sflag:$0x7], $0x40, s25, s23, $0xb8;
	[tilespmem:$0x1EF00] =	vst v63  }
0x23: {  	s23 =	simm.s32 @!p0 $0x7  }
0x24: {  	_ =	swait.ge @!p0 [sflag:s23], $0x2000  }
0x25: {  	s1 =	sadd.s32 $0x1, s1;
	[sflag:s23] =	ssyncset.done @!p0 $0x0  }
0x26: {  	p1 =	sne.s32 s1, s12;
	[sflag:s23] =	ssyncadd.s32 @!p0 $0xFFFFE000  }
.Ltmp1:
0x27: {  	[bflag:$0x0] =	sbarrier.arrive $0xFFFF;
	(pc) =	sbr.rel @!p1 .LBB2_5-.Ltmp1, $4  }
0x28: {  	[hbm:s11], [sflag:s15] =	dma.local [spmem:s17], $0x1400  }
0x29: {  	_ =	swait.ge [sflag:s13], $0x1400  }
0x2a: {  	[sflag:s13] =	ssyncset.done $0x0  }
0x2b: {  	[sflag:s13] =	ssyncadd.s32 $0xFFFFEC00  }
.LBB2_1:
0x2c: {  	[tilespmem:s4], [sflag:$0x7] =	stream.linear.gather [hbm4b:s6+s4], $0x2700, $0x38;
	[tilespmem:$0x1EF00] =	vst v63  }
0x2d: {  	_ =	swait.ge [sflag:s13], $0x2700  }
0x2e: {  	[sflag:s13] =	ssyncset.done $0x0  }
0x2f: {  	[sflag:s13] =	ssyncadd.s32 $0xFFFFD900  }
0x30: {  	[tilespmem:s14], [sflag:$0x7] =	stream.linear.gather [hbm4b:s7+s4], $0x2700, $0x38;
	[tilespmem:$0x1EF00] =	vst v63  }
0x31: {  	_ =	swait.ge [sflag:s13], $0x2700  }
0x32: {  	[sflag:s13] =	ssyncset.done $0x0  }
0x33: {  	s23 =	simm.s32 @!p0 $0x0;
	s25 =	simm.s32 @!p0 $0x2700;
	[sflag:s13] =	ssyncadd.s32 $0xFFFFD900  }
0x34: {  	[tilespmem:s25], [sflag:$0x7] =	stream.linear.gather @!p0 [hbm4b:s8+s23], $0x80, $0x38;
	[tilespmem:$0x1EF00] =	vst v63  }
0x35: {  	s25 =	simm.s32 @!p0 $0x7  }
0x36: {  	_ =	swait.ge @!p0 [sflag:s25], $0x80  }
0x37: {  	[sflag:s25] =	ssyncset.done @!p0 $0x0  }
0x38: {  	s29 =	simm.s32 @!p0 $0x4E80;
	[sflag:s25] =	ssyncadd.s32 @!p0 $0xFFFFFF80  }
0x39: {  	[tilespmem:s29], [sflag:$0x7] =	stream.linear.gather @!p0 [hbm4b:s9+s23], $0x80, $0x38;
	[tilespmem:$0x1EF00] =	vst v63  }
0x3a: {  	_ =	swait.ge @!p0 [sflag:s25], $0x80  }
0x3b: {  	[sflag:s25] =	ssyncset.done @!p0 $0x0  }
0x3c: {  	[sflag:s25] =	ssyncadd.s32 @!p0 $0xFFFFFF80  }
0x3d: {  	[spmem:s16], [sflag:s15] =	dma.local [hbm:s10], $0x1400  }
0x3e: {  	_ =	swait.ge [sflag:s13], $0x1400  }
0x3f: {  	[sflag:s13] =	ssyncset.done $0x0  }
0x40: {  	[sflag:s13] =	ssyncadd.s32 $0xFFFFEC00  }
0x41: {  	[spmem:s17], [sflag:s15] =	dma.local [hbm:s5], $0x1400  }
0x42: {  	_ =	swait.ge [sflag:s13], $0x1400  }
0x43: {  	[sflag:s13] =	ssyncset.done $0x0  }
0x44: {  	[sflag:s13] =	ssyncadd.s32 $0xFFFFEC00  }
0x45: {  	[bflag:$0x0] =	sbarrier.arrive $0xFFFF  }
0x46: {  	[tilespmem:s19], [sflag:$0x1] =	stream.indirect.gather [spmem:s2], $0x40, s4, s18, $0xb8;
	[tilespmem:$0x1EF00] =	vst v63  }
0x47: {  	_ =	swait.ge [sflag:s20], $0x2000  }
0x48: {  	[sflag:s20] =	ssyncset.done $0x0  }
0x49: {  	[sflag:s20] =	ssyncadd.s32 $0xFFFFE000  }
0x4a: {  	[tilespmem:s21], [sflag:$0x2] =	stream.indirect.gather [spmem:s2], $0x40, s18, s18, $0xb8;
	[tilespmem:$0x1EF00] =	vst v63  }
0x4b: {  	_ = 	snop  }
0x4c: {  	[spmem:s3] =	stream.indirect.scatter.add.f32 [tilespmem:s19], [sflag:$0x4], $0x40, s14, s18, $0xb8;
	[tilespmem:$0x1EF00] =	vst v63  }
0x4d: {  	_ =	swait.ge [sflag:s22], $0x2000  }
0x4e: {  	[sflag:s22] =	ssyncset.done $0x0  }
0x4f: {  	s29 =	simm.s32 $0x100;
	[sflag:s22] =	ssyncadd.s32 $0xFFFFE000  }
0x50: {  	[tilespmem:s24], [sflag:$0x3] =	stream.indirect.gather [spmem:s2], $0x40, s29, s18, $0xb8;
	[tilespmem:$0x1EF00] =	vst v63  }
0x51: {  	s25 =	simm.s32 $0x2800  }
0x52: {  	[spmem:s3] =	stream.indirect.scatter.add.f32 [tilespmem:s21], [sflag:$0x5], $0x40, s25, s18, $0xb8;
	[tilespmem:$0x1EF00] =	vst v63  }
0x53: {  	_ =	swait.ge [sflag:s26], $0x2000  }
0x54: {  	[sflag:s26] =	ssyncset.done $0x0  }
0x55: {  	[sflag:s26] =	ssyncadd.s32 $0xFFFFE000  }
0x56: {  	_ =	swait.ge [sflag:s28], $0x2000  }
0x57: {  	[sflag:s28] =	ssyncset.done $0x0  }
0x58: {  	s29 =	simm.s32 $0x180;
	[sflag:s28] =	ssyncadd.s32 $0xFFFFE000  }
0x59: {  	[tilespmem:s19], [sflag:$0x1] =	stream.indirect.gather [spmem:s2], $0x40, s29, s18, $0xb8;
	[tilespmem:$0x1EF00] =	vst v63  }
0x5a: {  	s23 =	simm.s32 $0x0  }
0x5b: {  	[spmem:s3] =	stream.indirect.scatter.add.f32 [tilespmem:s24], [sflag:$0x6], $0x40, s30, s18, $0xb8;
	[tilespmem:$0x1EF00] =	vst v63  }
.LBB2_2:
0x5c: {  	_ =	swait.ge [sflag:s20], $0x2000  }
0x5d: {  	[sflag:s20] =	ssyncset.done $0x0  }
0x5e: {  	[sflag:s20] =	ssyncadd.s32 $0xFFFFE000  }
0x5f: {  	_ =	swait.ge [sflag:s31], $0x2000  }
0x60: {  	s25 =	sshra.s32 s23, $0x2;
	[sflag:s31] =	ssyncset.done $0x0  }
0x61: {  	s29 =	sadd.s32 $0x200, s25;
	[sflag:s31] =	ssyncadd.s32 $0xFFFFE000  }
0x62: {  	[tilespmem:s21], [sflag:$0x2] =	stream.indirect.gather [spmem:s2], $0x40, s29, s18, $0xb8;
	[tilespmem:$0x1EF00] =	vst v63  }
0x63: {  	s29 =	sadd.s32 $0x2900, s25  }
0x64: {  	[spmem:s3] =	stream.indirect.scatter.add.f32 [tilespmem:s19], [sflag:$0x4], $0x40, s29, s18, $0xb8;
	[tilespmem:$0x1EF00] =	vst v63  }
0x65: {  	_ =	swait.ge [sflag:s22], $0x2000  }
0x66: {  	[sflag:s22] =	ssyncset.done $0x0  }
0x67: {  	[sflag:s22] =	ssyncadd.s32 $0xFFFFE000  }
0x68: {  	_ =	swait.ge [sflag:s0], $0x2000  }
0x69: {  	[sflag:s0] =	ssyncset.done $0x0  }
0x6a: {  	s29 =	sadd.s32 $0x280, s25;
	[sflag:s0] =	ssyncadd.s32 $0xFFFFE000  }
0x6b: {  	[tilespmem:s24], [sflag:$0x3] =	stream.indirect.gather [spmem:s2], $0x40, s29, s18, $0xb8;
	[tilespmem:$0x1EF00] =	vst v63  }
0x6c: {  	s29 =	sadd.s32 $0x2980, s25  }
0x6d: {  	[spmem:s3] =	stream.indirect.scatter.add.f32 [tilespmem:s21], [sflag:$0x5], $0x40, s29, s18, $0xb8;
	[tilespmem:$0x1EF00] =	vst v63  }
0x6e: {  	p1 =	seq.s32 s23, $0x9000;
	_ =	swait.ge [sflag:s26], $0x2000  }
.Ltmp2:
0x6f: {  	[sflag:s26] =	ssyncset.done $0x0;
	(pc) =	sbr.rel @p1 .LBB2_4-.Ltmp2, $4  }
0x70: {  	[sflag:s26] =	ssyncadd.s32 $0xFFFFE000  }
0x71: {  	_ =	swait.ge [sflag:s28], $0x2000  }
0x72: {  	[sflag:s28] =	ssyncset.done $0x0  }
0x73: {  	s29 =	sadd.s32 $0x2A00, s25;
	[sflag:s28] =	ssyncadd.s32 $0xFFFFE000  }
.Ltmp3:
0x74: {  	(pc) =	sbr.rel .LBB2_2-.Ltmp3, $4  }
0x75: {  	s25 =	sadd.s32 $0x300, s25  }
0x76: {  	[tilespmem:s19], [sflag:$0x1] =	stream.indirect.gather [spmem:s2], $0x40, s25, s18, $0xb8;
	[tilespmem:$0x1EF00] =	vst v63  }
0x77: {  	s23 =	sadd.s32 $0x600, s23  }
0x78: {  	[spmem:s3] =	stream.indirect.scatter.add.f32 [tilespmem:s24], [sflag:$0x6], $0x40, s29, s18, $0xb8;
	[tilespmem:$0x1EF00] =	vst v63  }
.LBB2_5:
0x79: {  	_ =	sfence.sel $0x180000  }
0x7a: {  	[bflag:$0x0] =	sbarrier.arrive $0xFFFF  }
0x7b: {  	_ =	strace $0x90000047  }
0x7c: {  	s0 =	stileid.u32;
	[bflag:$0x2] =	sbarrier.arrive $0xFFFF  }
0x7d: {  	p0 =	sne.s32 s0, $0x0;
	s0 =	rddreg [dreg:$0x3]  }
0x7e: {  	s0 =	sadd.s32 @!p0 $0x100000, s0  }
0x7f: {  	[sflag:s0] =	ssyncadd.tile.s32 @!p0 $0x1;
	_ =	shalt  }
.Lfunc_end2:
_tile_overlayer_lowered:
.L_overlay_start_2:
0x80: {  	(tag) =	ssettag $0x2  }
0x81: {  	s0 =	rddreg [dreg:$0x0];
	s2 =	stileid.u32  }
0x82: {  	s1 =	rddreg [dreg:$0x1];
	p0 =	sne.s32 s2, $0x0  }
0x83: {  	s3 =	rddreg [dreg:$0x2];
	[bflag:$0x3] =	sbarrier.arrive $0xFFFF;
	s2 =	simm.s32 @!p0 $0x1C07  }
0x84: {  	[timem:s3], [sflag:s2] =	dma.local @!p0 [hbm:s0], s1  }
0x85: {  	s0 =	simm.s32 @!p0 $0x7  }
0x86: {  	_ =	swait.ge @!p0 [sflag:s0], s1  }
0x87: {  	s1 =	ssub.s32 @!p0 $0x0, s1;
	[sflag:s0] =	ssyncset.done @!p0 $0x0  }
0x88: {  	[sflag:s0] =	ssyncadd.s32 @!p0 s1  }
0x89: {  	[bflag:$0x3] =	sbarrier.arrive $0xFFFF  }
0x8a: {  	_ =	shalt  }

// kernel: kernel.14.cloned.1.call-start
scs
__scs_entry_jumppad:
0x0: {  	(pc) =	sbr.rel $0x88, $3  }
0x1: {  	(tag) =	ssettag $0x0;
	lr =	simm.s32 $0x1  }
0x2: {  	[smem:$0x3F95] =	sst lr;
	_ =	strace $0xD0000000  }
0x3: {  	_ = 	snop  }
0x4: {  	_ = 	snop  }
0x5: {  	_ = 	snop  }
0x6: {  	_ = 	snop  }
0x7: {  	_ = 	snop  }
__scs_overlays_trampoline_lowered:
0x8: {  	[smem:$0x3FA4] =	sst s0  }
0x9: {  	[smem:$0x3FA5] =	sst s1  }
0xa: {  	[smem:$0x3FA6] =	sst s2  }
0xb: {  	[smem:$0x3FA7] =	sst s3  }
0xc: {  	[smem:$0x3FA8] =	sst s4  }
0xd: {  	[smem:$0x3FA9] =	sst s5  }
0xe: {  	[smem:$0x3FAA] =	sst s6  }
0xf: {  	[smem:$0x3FAB] =	sst s7  }
0x10: {  	[smem:$0x3FAC] =	sst s8  }
0x11: {  	[smem:$0x3FAD] =	sst s9;
	s0 =	simm.s32 @!p0 $0x0  }
0x12: {  	s1 =	sld [smem:$0x3F93];
	s0 =	simm.s32 @p0 $0x1  }
0x13: {  	[smem:$0x3FAE] =	sst s0;
	s0 =	simm.s32 @!p1 $0x0  }
0x14: {  	s2 =	sld [smem:$0x3F92];
	s0 =	simm.s32 @p1 $0x1  }
0x15: {  	[smem:$0x3FAF] =	sst s0;
	s0 =	simm.s32 @!p2 $0x0  }
0x16: {  	s3 =	sld [smem:$0x3FDB];
	s0 =	simm.s32 @p2 $0x1  }
0x17: {  	s4 =	simm.s32 $0x1BF5;
	[smem:$0x3FB1] =	sst s0  }
0x18: {  	s0 =	sld [smem:$0x3F94];
	_ =	swait.ge [sflag:s4], $0x0  }
0x19: {  	s7 =	sld [smem:$0x3F95]  }
0x1a: {  	s8 =	sadd.s32 $0xFFFFE003, lr  }
0x1b: {  	s9 =	sadd.s32 $0xFFFFFEF7, lr;
	s5 =	simm.s32 $0xFFFFFFFF;
	p2 =	slt.u32 s8, $0xFFFFF086  }
0x1c: {  	p1 =	slt.u32 s9, $0xF7A;
	s5 =	simm.s32 @!p2 $0x0  }
0x1d: {  	s5 =	simm.s32 @p1 $0x1;
	p0 =	seq.s32 s7, s2  }
0x1e: {  	s7 =	smul.u32 @!p0 $0xF7A, s2;
	p2 =	seq.s32 @!p0 s5, $0x0  }
0x1f: {  	s9 =	smul.u32 $0xF7A, s1;
	s8 =	simm.s32 @!p0 $0x1BF5;
	p2 =	por !p2, p0  }
0x20: {  	[sflag:s8] =	ssyncset.s32 @!p0 $0xFFFFF086;
	s6 =	sadd.s32 @!p0 s3, s7;
	s7 =	simm.s32 @!p0 $0x108  }
0x21: {  	s3 =	sadd.s32 s3, s9;
	s6 =	sadd.s32 @!p0 $0x88, s6;
	s7 =	simm.s32 @p2 $0x1082  }
0x22: {  	[simem:s7], [sflag:s8] =	dma.local @!p0 [hbm:s6], $0xF7A  }
0x23: {  	s9 =	sor.u32 $0xD0000000, s2;
	s6 =	simm.s32 $0x108;
	_ =	swait.ge @!p0 [sflag:s8], $0x0  }
0x24: {  	s3 =	sadd.s32 $0x88, s3;
	s6 =	simm.s32 @!p1 $0x1082;
	[sflag:s4] =	ssyncset.s32 $0xFFFFF086  }
0x25: {  	[simem:s6], [sflag:s4] =	dma.local [hbm:s3], $0xF7A  }
0x26: {  	[smem:$0x3F95] =	sst s1;
	(tag) =	ssettag s2;
	_ =	strace s9  }
0x27: {  	s1 =	sld [smem:$0x3FA5]  }
0x28: {  	s2 =	sld [smem:$0x3FA6]  }
0x29: {  	s4 =	sld [smem:$0x3FA8]  }
0x2a: {  	p0 =	seq.s32 s5, $0x0;
	s5 =	sld [smem:$0x3FA9]  }
0x2b: {  	s6 =	sld [smem:$0x3FAA]  }
0x2c: {  	s7 =	sld [smem:$0x3FAB]  }
0x2d: {  	s3 =	simm.s32 $0x108;
	s8 =	sld [smem:$0x3FAC]  }
0x2e: {  	s3 =	simm.s32 @!p0 $0x1082;
	s9 =	sld [smem:$0x3FAD]  }
0x2f: {  	lr =	sadd.s32 s0, s3;
	s0 =	sld [smem:$0x3FA4]  }
0x30: {  	s3 =	sld [smem:$0x3FA7]  }
0x31: {  	[smem:$0x3FB0] =	sst s10  }
0x32: {  	s10 =	sld [smem:$0x3FAE];
	_ =	sdelay $0x3  }
0x33: {  	p0 =	seq.s32 s10, $0x1;
	s10 =	sld [smem:$0x3FB0];
	_ =	sdelay $0x3  }
0x34: {  	[smem:$0x3FB0] =	sst s10  }
0x35: {  	s10 =	sld [smem:$0x3FAF];
	_ =	sdelay $0x3  }
0x36: {  	p1 =	seq.s32 s10, $0x1;
	s10 =	sld [smem:$0x3FB0];
	_ =	sdelay $0x3  }
0x37: {  	[smem:$0x3FB0] =	sst s10  }
0x38: {  	s10 =	sld [smem:$0x3FB1]  }
0x39: {  	_ = 	snop;
	(pc) =	sbr.ind lr, $3  }
0x3a: {  	_ = 	snop  }
0x3b: {  	_ = 	snop  }
0x3c: {  	p2 =	seq.s32 s10, $0x1;
	s10 =	sld [smem:$0x3FB0]  }
0x3d: {  	_ =	shalt  }
0x3e: {  	_ =	shalt  }
0x3f: {  	_ =	shalt  }
0x40: {  	_ =	shalt  }
0x41: {  	_ =	shalt  }
0x42: {  	_ =	shalt  }
0x43: {  	_ =	shalt  }
0x44: {  	_ =	shalt  }
0x45: {  	_ =	shalt  }
0x46: {  	_ =	shalt  }
0x47: {  	_ =	shalt  }
0x48: {  	_ =	shalt  }
0x49: {  	_ =	shalt  }
0x4a: {  	_ =	shalt  }
0x4b: {  	_ =	shalt  }
0x4c: {  	_ =	shalt  }
0x4d: {  	_ =	shalt  }
0x4e: {  	_ =	shalt  }
0x4f: {  	_ =	shalt  }
0x50: {  	_ =	shalt  }
0x51: {  	_ =	shalt  }
0x52: {  	_ =	shalt  }
0x53: {  	_ =	shalt  }
0x54: {  	_ =	shalt  }
0x55: {  	_ =	shalt  }
0x56: {  	_ =	shalt  }
0x57: {  	_ =	shalt  }
0x58: {  	_ =	shalt  }
0x59: {  	_ =	shalt  }
0x5a: {  	_ =	shalt  }
0x5b: {  	_ =	shalt  }
0x5c: {  	_ =	shalt  }
0x5d: {  	_ =	shalt  }
0x5e: {  	_ =	shalt  }
0x5f: {  	_ =	shalt  }
0x60: {  	_ =	shalt  }
0x61: {  	_ =	shalt  }
0x62: {  	_ =	shalt  }
0x63: {  	_ =	shalt  }
0x64: {  	_ =	shalt  }
0x65: {  	_ =	shalt  }
0x66: {  	_ =	shalt  }
0x67: {  	_ =	shalt  }
0x68: {  	_ =	shalt  }
0x69: {  	_ =	shalt  }
0x6a: {  	_ =	shalt  }
0x6b: {  	_ =	shalt  }
0x6c: {  	_ =	shalt  }
0x6d: {  	_ =	shalt  }
0x6e: {  	_ =	shalt  }
0x6f: {  	_ =	shalt  }
0x70: {  	_ =	shalt  }
0x71: {  	_ =	shalt  }
0x72: {  	_ =	shalt  }
0x73: {  	_ =	shalt  }
0x74: {  	_ =	shalt  }
0x75: {  	_ =	shalt  }
0x76: {  	_ =	shalt  }
0x77: {  	_ =	shalt  }
0x78: {  	_ =	shalt  }
0x79: {  	_ =	shalt  }
0x7a: {  	_ =	shalt  }
0x7b: {  	_ =	shalt  }
0x7c: {  	_ =	shalt  }
0x7d: {  	_ =	shalt  }
0x7e: {  	_ =	shalt  }
0x7f: {  	_ =	shalt  }
0x80: {  	_ =	shalt  }
0x81: {  	_ =	shalt  }
0x82: {  	_ =	shalt  }
0x83: {  	_ =	shalt  }
0x84: {  	_ =	shalt  }
0x85: {  	_ =	shalt  }
0x86: {  	_ =	shalt  }
0x87: {  	_ =	shalt  }
.Lfunc_end0:
.L_simem_size_0:
called_computation.2_lowered:
.L_overlay_start_0:
0x88: {  	s2 =	sld [smem:$0x3FD9]  }
0x89: {  	s3 =	sld [smem:$0x3FFE];
	_ =	sdelay $0x1  }
0x8a: {  	s1 =	srdreg.scid  }
0x8b: {  	s0 =	sand.u32 $0x1, s1  }
0x8c: {  	s16 =	sshll.u32 s0, $0xA;
	s2 =	sadd.s32 s3, s2  }
0x8d: {  	s2 =	sadd.s32 s2, s16  }
0x8e: {  	[smem:$0x3FBC] =	sst s2  }
0x8f: {  	_ = 	snop  }
0x90: {  	(tm) =	ssettm $0x1  }
0x91: {  	s17 =	sld [smem:$0x3FFB];
	_ =	sdelay $0x3  }
0x92: {  	_ =	strace s17  }
0x93: {  	s2 =	sld [smem:$0x3FFC];
	_ =	sdelay $0x3  }
0x94: {  	_ =	strace s2  }
0x95: {  	s2 =	sld [smem:$0x3FFD];
	_ =	sdelay $0x3  }
0x96: {  	_ =	strace s2  }
0x97: {  	_ =	strace $0x8FFFFFFF  }
0x98: {  	s18 =	sld [smem:$0x3FDB];
	_ =	sdelay $0x1  }
0x99: {  	s19 =	simm.s32 $_scs_section_size  }
0x9a: {  	s4 =	simm.s32 $_size__tile_overlayer_lowered;
	s5 =	simm.s32 $_tile_overlayer_lowered  }
0x9b: {  	s22 =	simm.s32 $0x1BFF;
	s21 =	sshll.u32 s5, $0x1;
	s2 =	sadd.s32 s19, s18  }
0x9c: {  	s6 =	simm.s32 $0x0;
	s20 =	sshll.u32 s4, $0x1;
	s4 =	sadd.s32 s21, s2  }
0x9d: {  	[timem:s6], [sflag:s22] =	dma.local [hbm:s4], s20  }
0x9e: {  	_ =	swait.ge [sflag:s22], s20  }
0x9f: {  	s3 =	ssub.s32 $0x0, s20;
	[sflag:s22] =	ssyncset.done $0x0  }
0xa0: {  	[sflag:s22] =	ssyncadd.s32 s3;
	_ =	sdelay $0x1  }
0xa1: {  	s23 =	simm.s32 $0x1B8B  }
0xa2: {  	_ =	swait.ge [sflag:s23], $0x1  }
0xa3: {  	[sflag:s23] =	ssyncset.done $0x0  }
0xa4: {  	s25 =	simm.s32 $0x1B8E;
	s24 =	sld [smem:$0x3FFE];
	[sflag:s23] =	ssyncadd.s32 $0xFFFFFFFF  }
0xa5: {  	s26 =	simm.s32 $execute0_lowered;
	[smem:$0x3FD2] =	sst s25  }
0xa6: {  	s4 =	sshll.u32 s26, $0x1;
	_ =	strace $0x8000004C;
	[dreg:$0x1] =	wrdreg $0xFFFFFFFF  }
0xa7: {  	s28 =	simm.s32 $_size_execute0_lowered;
	s2 =	sadd.s32 s2, s4;
	[dreg:$0x0] =	wrdreg $0x0  }
0xa8: {  	s4 =	sshll.u32 s28, $0x1;
	[dreg:$0x2] =	wrdreg s2  }
0xa9: {  	[dreg:$0x3] =	wrdreg s4  }
0xaa: {  	[dreg:$0x4] =	wrdreg $0xC0  }
0xab: {  	_ =	task [dreg:s6], $0x5FFFF  }
0xac: {  	[dreg:$0x1] =	wrdreg $0xFFFFFFFF  }
0xad: {  	[dreg:$0x0] =	wrdreg $0x60  }
0xae: {  	[dreg:$0x2] =	wrdreg s24  }
0xaf: {  	[dreg:$0x3] =	wrdreg $0xAF000  }
0xb0: {  	[dreg:$0x4] =	wrdreg $0x14F000  }
0xb1: {  	[dreg:$0x5] =	wrdreg $0x9  }
0xb2: {  	_ =	task.clear_ibuf [dreg:s6], $0x6FFFF;
	_ =	strace $0x9000004C  }
0xb3: {  	s29 =	simm.s32 $0x9;
	_ =	strace $0x8000004E  }
0xb4: {  	_ =	swait.ge [sflag:s29], $0x1  }
0xb5: {  	[sflag:s29] =	ssyncadd.s32 $0xFFFFFFFF  }
0xb6: {  	_ =	strace $0x9000004E  }
0xb7: {  	_ =	sfence  }
0xb8: {  	s30 =	sld [smem:$0x0];
	_ =	sdelay $0x2  }
0xb9: {  	s31 =	sshll.u32 s1, $0xD;
	s1 =	sshrl.u32 s1, $0x2  }
0xba: {  	s3 =	sand.u32 $0x4000, s31;
	s1 =	sadd.s32 s1, s30  }
0xbb: {  	s0 =	sor.u32 s3, s0;
	s1 =	sshll.u32 s1, $0x11  }
0xbc: {  	s0 =	sor.u32 s1, s0  }
0xbd: {  	s0 =	sadd.s32 $0x8F2B, s0  }
0xbe: {  	[sflag:s0] =	ssyncadd.remote.s32 $0x1  }
0xbf: {  	_ =	sfence.sel $0xFFFF  }
0xc0: {  	[dreg:$0x0] =	wrdreg $0xFFFFFFFF;
	(pc) =	sbr.abs _section_cstart, $3  }
0xc1: {  	[dreg:$0x1] =	wrdreg $0xFFFFFFFF  }
0xc2: {  	_ =	task.clear_ibuf [dreg:s6], $0x2FFFF;
	_ =	strace $0x9FFFFFFF  }
0xc3: {  	(tm) =	ssettm $0x7FFFFFFF  }
tec
execute0_lowered:
.L_overlay_start_1:
0x0: {  	(tag) =	ssettag $0x1  }
0x1: {  	s0 =	rddreg [dreg:$0x0]  }
0x2: {  	s2 =	rddreg [dreg:$0x1]  }
0x3: {  	s3 =	rddreg [dreg:$0x2];
	s4 =	simm.s32 $0x0  }
0x4: {  	s15 =	stileid.u32;
	s1 =	srdreg.scid;
	s18 =	simm.s32 $0x80  }
0x5: {  	s19 =	simm.s32 $0x4F00;
	s20 =	simm.s32 $0x1;
	s21 =	simm.s32 $0x6F00  }
0x6: {  	s22 =	simm.s32 $0x2;
	s28 =	simm.s32 $0x4;
	s30 =	simm.s32 $0x2880  }
0x7: {  	s31 =	simm.s32 $0x5;
	[smem:$0x7FF] =	sst s4;
	s11 =	smul.u32 $0xA000, s15  }
0x8: {  	s1 =	sand.u32 $0x1, s1;
	s6 =	smul.u32 $0x1400, s15;
	s9 =	sadd.s32 $0xBC00, s0  }
0x9: {  	s12 =	sadd.s32 $0x1E00, s0;
	s29 =	sshll.u32 s15, $0x6;
	_ =	strace $0x8000004D  }
0xa: {  	s5 =	sshll.u32 s1, $0x4;
	s8 =	smul.u32 $0x14000, s1;
	s1 =	ssub.s32 $0x2, s1  }
0xb: {  	s7 =	sshrl.u32 s11, $0x3;
	s13 =	sor.u32 s15, s5;
	s5 =	sadd.s32 $0x29A00, s0  }
0xc: {  	s25 =	sshrl.u32 s1, $0x1;
	s16 =	sadd.s32 s11, s2;
	s17 =	sadd.s32 s11, s3  }
0xd: {  	s15 =	sor.u32 $0x1C07, s29;
	s10 =	sadd.s32 s7, s0;
	s24 =	smul.u32 $0x4E, s13  }
0xe: {  	s14 =	smin.u32 s13, $0x4;
	s6 =	sadd.s32 s6, s8;
	s1 =	ssub.s32 s1, s25  }
0xf: {  	p0 =	sgt.u32 s13, $0x3;
	s13 =	simm.s32 $0x7;
	s16 =	sshrl.u32 s16, $0x3  }
0x10: {  	s17 =	sshrl.u32 s17, $0x3;
	s0 =	sadd.s32 s6, s0;
	s10 =	sadd.s32 $0x15A00, s10  }
.Ltmp0:
0x11: {  	s7 =	sadd.s32 s14, s24;
	s11 =	sadd.s32 $0x2AE00, s0;
	(pc) =	sbr.rel .LBB2_1-.Ltmp0, $4  }
0x12: {  	s14 =	simm.s32 $0x2780;
	s24 =	simm.s32 $0x8F00;
	s7 =	sshll.u32 s7, $0x4  }
0x13: {  	s0 =	simm.s32 $0x6;
	s6 =	sadd.s32 s9, s7;
	s26 =	sadd.s32 $0x4E0, s7  }
0x14: {  	s7 =	sadd.s32 s12, s7;
	s8 =	sadd.s32 s9, s26;
	s9 =	sadd.s32 s12, s26  }
0x15: {  	s12 =	smax.u32 s1, $0x1;
	s26 =	simm.s32 $0x3;
	s1 =	simm.s32 $0x0  }
.LBB2_4:
0x16: {  	[spmem:s3] =	stream.indirect.scatter.add.f32 [tilespmem:s24], [sflag:$0x6], $0x40, s29, s18, $0xb8;
	[tilespmem:$0x1EF00] =	vst v63  }
0x17: {  	_ =	swait.ge [sflag:s31], $0x2000  }
0x18: {  	[sflag:s31] =	ssyncset.done $0x0  }
0x19: {  	[sflag:s31] =	ssyncadd.s32 $0xFFFFE000  }
0x1a: {  	_ =	swait.ge [sflag:s0], $0x2000  }
0x1b: {  	s23 =	simm.s32 @!p0 $0x80;
	[sflag:s0] =	ssyncset.done $0x0  }
0x1c: {  	s25 =	simm.s32 @!p0 $0x2700;
	s29 =	simm.s32 @!p0 $0x4F00;
	[sflag:s0] =	ssyncadd.s32 $0xFFFFE000  }
0x1d: {  	[tilespmem:s29], [sflag:$0x1] =	stream.indirect.gather @!p0 [spmem:s2], $0x40, s25, s23, $0xb8;
	[tilespmem:$0x1EF00] =	vst v63  }
0x1e: {  	s25 =	simm.s32 @!p0 $0x1  }
0x1f: {  	_ =	swait.ge @!p0 [sflag:s25], $0x2000  }
0x20: {  	[sflag:s25] =	ssyncset.done @!p0 $0x0  }
0x21: {  	[sflag:s25] =	ssyncadd.s32 @!p0 $0xFFFFE000;
	s25 =	simm.s32 @!p0 $0x4E80  }
0x22: {  	[spmem:s3] =	stream.indirect.scatter.add.f32 @!p0 [tilespmem:s29], [sflag:$0x7], $0x40, s25, s23, $0xb8;
	[tilespmem:$0x1EF00] =	vst v63  }
0x23: {  	s23 =	simm.s32 @!p0 $0x7  }
0x24: {  	_ =	swait.ge @!p0 [sflag:s23], $0x2000  }
0x25: {  	s1 =	sadd.s32 $0x1, s1;
	[sflag:s23] =	ssyncset.done @!p0 $0x0  }
0x26: {  	p1 =	sne.s32 s1, s12;
	[sflag:s23] =	ssyncadd.s32 @!p0 $0xFFFFE000  }
.Ltmp1:
0x27: {  	[bflag:$0x0] =	sbarrier.arrive $0xFFFF;
	(pc) =	sbr.rel @!p1 .LBB2_5-.Ltmp1, $4  }
0x28: {  	[hbm:s11], [sflag:s15] =	dma.local [spmem:s17], $0x1400  }
0x29: {  	_ =	swait.ge [sflag:s13], $0x1400  }
0x2a: {  	[sflag:s13] =	ssyncset.done $0x0  }
0x2b: {  	[sflag:s13] =	ssyncadd.s32 $0xFFFFEC00  }
.LBB2_1:
0x2c: {  	[tilespmem:s4], [sflag:$0x7] =	stream.linear.gather [hbm4b:s6+s4], $0x2700, $0x38;
	[tilespmem:$0x1EF00] =	vst v63  }
0x2d: {  	_ =	swait.ge [sflag:s13], $0x2700  }
0x2e: {  	[sflag:s13] =	ssyncset.done $0x0  }
0x2f: {  	[sflag:s13] =	ssyncadd.s32 $0xFFFFD900  }
0x30: {  	[tilespmem:s14], [sflag:$0x7] =	stream.linear.gather [hbm4b:s7+s4], $0x2700, $0x38;
	[tilespmem:$0x1EF00] =	vst v63  }
0x31: {  	_ =	swait.ge [sflag:s13], $0x2700  }
0x32: {  	[sflag:s13] =	ssyncset.done $0x0  }
0x33: {  	s23 =	simm.s32 @!p0 $0x0;
	s25 =	simm.s32 @!p0 $0x2700;
	[sflag:s13] =	ssyncadd.s32 $0xFFFFD900  }
0x34: {  	[tilespmem:s25], [sflag:$0x7] =	stream.linear.gather @!p0 [hbm4b:s8+s23], $0x80, $0x38;
	[tilespmem:$0x1EF00] =	vst v63  }
0x35: {  	s25 =	simm.s32 @!p0 $0x7  }
0x36: {  	_ =	swait.ge @!p0 [sflag:s25], $0x80  }
0x37: {  	[sflag:s25] =	ssyncset.done @!p0 $0x0  }
0x38: {  	s29 =	simm.s32 @!p0 $0x4E80;
	[sflag:s25] =	ssyncadd.s32 @!p0 $0xFFFFFF80  }
0x39: {  	[tilespmem:s29], [sflag:$0x7] =	stream.linear.gather @!p0 [hbm4b:s9+s23], $0x80, $0x38;
	[tilespmem:$0x1EF00] =	vst v63  }
0x3a: {  	_ =	swait.ge @!p0 [sflag:s25], $0x80  }
0x3b: {  	[sflag:s25] =	ssyncset.done @!p0 $0x0  }
0x3c: {  	[sflag:s25] =	ssyncadd.s32 @!p0 $0xFFFFFF80  }
0x3d: {  	[spmem:s16], [sflag:s15] =	dma.local [hbm:s10], $0x1400  }
0x3e: {  	_ =	swait.ge [sflag:s13], $0x1400  }
0x3f: {  	[sflag:s13] =	ssyncset.done $0x0  }
0x40: {  	[sflag:s13] =	ssyncadd.s32 $0xFFFFEC00  }
0x41: {  	[spmem:s17], [sflag:s15] =	dma.local [hbm:s5], $0x1400  }
0x42: {  	_ =	swait.ge [sflag:s13], $0x1400  }
0x43: {  	[sflag:s13] =	ssyncset.done $0x0  }
0x44: {  	[sflag:s13] =	ssyncadd.s32 $0xFFFFEC00  }
0x45: {  	[bflag:$0x0] =	sbarrier.arrive $0xFFFF  }
0x46: {  	[tilespmem:s19], [sflag:$0x1] =	stream.indirect.gather [spmem:s2], $0x40, s4, s18, $0xb8;
	[tilespmem:$0x1EF00] =	vst v63  }
0x47: {  	_ =	swait.ge [sflag:s20], $0x2000  }
0x48: {  	[sflag:s20] =	ssyncset.done $0x0  }
0x49: {  	[sflag:s20] =	ssyncadd.s32 $0xFFFFE000  }
0x4a: {  	[tilespmem:s21], [sflag:$0x2] =	stream.indirect.gather [spmem:s2], $0x40, s18, s18, $0xb8;
	[tilespmem:$0x1EF00] =	vst v63  }
0x4b: {  	_ = 	snop  }
0x4c: {  	[spmem:s3] =	stream.indirect.scatter.add.f32 [tilespmem:s19], [sflag:$0x4], $0x40, s14, s18, $0xb8;
	[tilespmem:$0x1EF00] =	vst v63  }
0x4d: {  	_ =	swait.ge [sflag:s22], $0x2000  }
0x4e: {  	[sflag:s22] =	ssyncset.done $0x0  }
0x4f: {  	s29 =	simm.s32 $0x100;
	[sflag:s22] =	ssyncadd.s32 $0xFFFFE000  }
0x50: {  	[tilespmem:s24], [sflag:$0x3] =	stream.indirect.gather [spmem:s2], $0x40, s29, s18, $0xb8;
	[tilespmem:$0x1EF00] =	vst v63  }
0x51: {  	s25 =	simm.s32 $0x2800  }
0x52: {  	[spmem:s3] =	stream.indirect.scatter.add.f32 [tilespmem:s21], [sflag:$0x5], $0x40, s25, s18, $0xb8;
	[tilespmem:$0x1EF00] =	vst v63  }
0x53: {  	_ =	swait.ge [sflag:s26], $0x2000  }
0x54: {  	[sflag:s26] =	ssyncset.done $0x0  }
0x55: {  	[sflag:s26] =	ssyncadd.s32 $0xFFFFE000  }
0x56: {  	_ =	swait.ge [sflag:s28], $0x2000  }
0x57: {  	[sflag:s28] =	ssyncset.done $0x0  }
0x58: {  	s29 =	simm.s32 $0x180;
	[sflag:s28] =	ssyncadd.s32 $0xFFFFE000  }
0x59: {  	[tilespmem:s19], [sflag:$0x1] =	stream.indirect.gather [spmem:s2], $0x40, s29, s18, $0xb8;
	[tilespmem:$0x1EF00] =	vst v63  }
0x5a: {  	s23 =	simm.s32 $0x0  }
0x5b: {  	[spmem:s3] =	stream.indirect.scatter.add.f32 [tilespmem:s24], [sflag:$0x6], $0x40, s30, s18, $0xb8;
	[tilespmem:$0x1EF00] =	vst v63  }
.LBB2_2:
0x5c: {  	_ =	swait.ge [sflag:s20], $0x2000  }
0x5d: {  	[sflag:s20] =	ssyncset.done $0x0  }
0x5e: {  	[sflag:s20] =	ssyncadd.s32 $0xFFFFE000  }
0x5f: {  	_ =	swait.ge [sflag:s31], $0x2000  }
0x60: {  	s25 =	sshra.s32 s23, $0x2;
	[sflag:s31] =	ssyncset.done $0x0  }
0x61: {  	s29 =	sadd.s32 $0x200, s25;
	[sflag:s31] =	ssyncadd.s32 $0xFFFFE000  }
0x62: {  	[tilespmem:s21], [sflag:$0x2] =	stream.indirect.gather [spmem:s2], $0x40, s29, s18, $0xb8;
	[tilespmem:$0x1EF00] =	vst v63  }
0x63: {  	s29 =	sadd.s32 $0x2900, s25  }
0x64: {  	[spmem:s3] =	stream.indirect.scatter.add.f32 [tilespmem:s19], [sflag:$0x4], $0x40, s29, s18, $0xb8;
	[tilespmem:$0x1EF00] =	vst v63  }
0x65: {  	_ =	swait.ge [sflag:s22], $0x2000  }
0x66: {  	[sflag:s22] =	ssyncset.done $0x0  }
0x67: {  	[sflag:s22] =	ssyncadd.s32 $0xFFFFE000  }
0x68: {  	_ =	swait.ge [sflag:s0], $0x2000  }
0x69: {  	[sflag:s0] =	ssyncset.done $0x0  }
0x6a: {  	s29 =	sadd.s32 $0x280, s25;
	[sflag:s0] =	ssyncadd.s32 $0xFFFFE000  }
0x6b: {  	[tilespmem:s24], [sflag:$0x3] =	stream.indirect.gather [spmem:s2], $0x40, s29, s18, $0xb8;
	[tilespmem:$0x1EF00] =	vst v63  }
0x6c: {  	s29 =	sadd.s32 $0x2980, s25  }
0x6d: {  	[spmem:s3] =	stream.indirect.scatter.add.f32 [tilespmem:s21], [sflag:$0x5], $0x40, s29, s18, $0xb8;
	[tilespmem:$0x1EF00] =	vst v63  }
0x6e: {  	p1 =	seq.s32 s23, $0x9000;
	_ =	swait.ge [sflag:s26], $0x2000  }
.Ltmp2:
0x6f: {  	[sflag:s26] =	ssyncset.done $0x0;
	(pc) =	sbr.rel @p1 .LBB2_4-.Ltmp2, $4  }
0x70: {  	[sflag:s26] =	ssyncadd.s32 $0xFFFFE000  }
0x71: {  	_ =	swait.ge [sflag:s28], $0x2000  }
0x72: {  	[sflag:s28] =	ssyncset.done $0x0  }
0x73: {  	s29 =	sadd.s32 $0x2A00, s25;
	[sflag:s28] =	ssyncadd.s32 $0xFFFFE000  }
.Ltmp3:
0x74: {  	(pc) =	sbr.rel .LBB2_2-.Ltmp3, $4  }
0x75: {  	s25 =	sadd.s32 $0x300, s25  }
0x76: {  	[tilespmem:s19], [sflag:$0x1] =	stream.indirect.gather [spmem:s2], $0x40, s25, s18, $0xb8;
	[tilespmem:$0x1EF00] =	vst v63  }
0x77: {  	s23 =	sadd.s32 $0x600, s23  }
0x78: {  	[spmem:s3] =	stream.indirect.scatter.add.f32 [tilespmem:s24], [sflag:$0x6], $0x40, s29, s18, $0xb8;
	[tilespmem:$0x1EF00] =	vst v63  }
.LBB2_5:
0x79: {  	_ =	sfence.sel $0x180000  }
0x7a: {  	[bflag:$0x0] =	sbarrier.arrive $0xFFFF  }
0x7b: {  	_ =	strace $0x9000004D  }
0x7c: {  	s0 =	stileid.u32;
	[bflag:$0x2] =	sbarrier.arrive $0xFFFF  }
0x7d: {  	p0 =	sne.s32 s0, $0x0;
	s0 =	rddreg [dreg:$0x3]  }
0x7e: {  	s0 =	sadd.s32 @!p0 $0x100000, s0  }
0x7f: {  	[sflag:s0] =	ssyncadd.tile.s32 @!p0 $0x1;
	_ =	shalt  }
.Lfunc_end2:
_tile_overlayer_lowered:
.L_overlay_start_2:
0x80: {  	(tag) =	ssettag $0x2  }
0x81: {  	s0 =	rddreg [dreg:$0x0];
	s2 =	stileid.u32  }
0x82: {  	s1 =	rddreg [dreg:$0x1];
	p0 =	sne.s32 s2, $0x0  }
0x83: {  	s3 =	rddreg [dreg:$0x2];
	[bflag:$0x3] =	sbarrier.arrive $0xFFFF;
	s2 =	simm.s32 @!p0 $0x1C07  }
0x84: {  	[timem:s3], [sflag:s2] =	dma.local @!p0 [hbm:s0], s1  }
0x85: {  	s0 =	simm.s32 @!p0 $0x7  }
0x86: {  	_ =	swait.ge @!p0 [sflag:s0], s1  }
0x87: {  	s1 =	ssub.s32 @!p0 $0x0, s1;
	[sflag:s0] =	ssyncset.done @!p0 $0x0  }
0x88: {  	[sflag:s0] =	ssyncadd.s32 @!p0 s1  }
0x89: {  	[bflag:$0x3] =	sbarrier.arrive $0xFFFF  }
0x8a: {  	_ =	shalt  }

// kernel: kernel.8.cloned.1.call-start
scs
__scs_entry_jumppad:
0x0: {  	(pc) =	sbr.rel $0x88, $3  }
0x1: {  	(tag) =	ssettag $0x0;
	lr =	simm.s32 $0x1  }
0x2: {  	[smem:$0x3F95] =	sst lr;
	_ =	strace $0xD0000000  }
0x3: {  	_ = 	snop  }
0x4: {  	_ = 	snop  }
0x5: {  	_ = 	snop  }
0x6: {  	_ = 	snop  }
0x7: {  	_ = 	snop  }
__scs_overlays_trampoline_lowered:
0x8: {  	[smem:$0x3FA4] =	sst s0  }
0x9: {  	[smem:$0x3FA5] =	sst s1  }
0xa: {  	[smem:$0x3FA6] =	sst s2  }
0xb: {  	[smem:$0x3FA7] =	sst s3  }
0xc: {  	[smem:$0x3FA8] =	sst s4  }
0xd: {  	[smem:$0x3FA9] =	sst s5  }
0xe: {  	[smem:$0x3FAA] =	sst s6  }
0xf: {  	[smem:$0x3FAB] =	sst s7  }
0x10: {  	[smem:$0x3FAC] =	sst s8  }
0x11: {  	[smem:$0x3FAD] =	sst s9;
	s0 =	simm.s32 @!p0 $0x0  }
0x12: {  	s1 =	sld [smem:$0x3F93];
	s0 =	simm.s32 @p0 $0x1  }
0x13: {  	[smem:$0x3FAE] =	sst s0;
	s0 =	simm.s32 @!p1 $0x0  }
0x14: {  	s2 =	sld [smem:$0x3F92];
	s0 =	simm.s32 @p1 $0x1  }
0x15: {  	[smem:$0x3FAF] =	sst s0;
	s0 =	simm.s32 @!p2 $0x0  }
0x16: {  	s3 =	sld [smem:$0x3FDB];
	s0 =	simm.s32 @p2 $0x1  }
0x17: {  	s4 =	simm.s32 $0x1BF5;
	[smem:$0x3FB1] =	sst s0  }
0x18: {  	s0 =	sld [smem:$0x3F94];
	_ =	swait.ge [sflag:s4], $0x0  }
0x19: {  	s7 =	sld [smem:$0x3F95]  }
0x1a: {  	s8 =	sadd.s32 $0xFFFFE003, lr  }
0x1b: {  	s9 =	sadd.s32 $0xFFFFFEF7, lr;
	s5 =	simm.s32 $0xFFFFFFFF;
	p2 =	slt.u32 s8, $0xFFFFF086  }
0x1c: {  	p1 =	slt.u32 s9, $0xF7A;
	s5 =	simm.s32 @!p2 $0x0  }
0x1d: {  	s5 =	simm.s32 @p1 $0x1;
	p0 =	seq.s32 s7, s2  }
0x1e: {  	s7 =	smul.u32 @!p0 $0xF7A, s2;
	p2 =	seq.s32 @!p0 s5, $0x0  }
0x1f: {  	s9 =	smul.u32 $0xF7A, s1;
	s8 =	simm.s32 @!p0 $0x1BF5;
	p2 =	por !p2, p0  }
0x20: {  	[sflag:s8] =	ssyncset.s32 @!p0 $0xFFFFF086;
	s6 =	sadd.s32 @!p0 s3, s7;
	s7 =	simm.s32 @!p0 $0x108  }
0x21: {  	s3 =	sadd.s32 s3, s9;
	s6 =	sadd.s32 @!p0 $0x88, s6;
	s7 =	simm.s32 @p2 $0x1082  }
0x22: {  	[simem:s7], [sflag:s8] =	dma.local @!p0 [hbm:s6], $0xF7A  }
0x23: {  	s9 =	sor.u32 $0xD0000000, s2;
	s6 =	simm.s32 $0x108;
	_ =	swait.ge @!p0 [sflag:s8], $0x0  }
0x24: {  	s3 =	sadd.s32 $0x88, s3;
	s6 =	simm.s32 @!p1 $0x1082;
	[sflag:s4] =	ssyncset.s32 $0xFFFFF086  }
0x25: {  	[simem:s6], [sflag:s4] =	dma.local [hbm:s3], $0xF7A  }
0x26: {  	[smem:$0x3F95] =	sst s1;
	(tag) =	ssettag s2;
	_ =	strace s9  }
0x27: {  	s1 =	sld [smem:$0x3FA5]  }
0x28: {  	s2 =	sld [smem:$0x3FA6]  }
0x29: {  	s4 =	sld [smem:$0x3FA8]  }
0x2a: {  	p0 =	seq.s32 s5, $0x0;
	s5 =	sld [smem:$0x3FA9]  }
0x2b: {  	s6 =	sld [smem:$0x3FAA]  }
0x2c: {  	s7 =	sld [smem:$0x3FAB]  }
0x2d: {  	s3 =	simm.s32 $0x108;
	s8 =	sld [smem:$0x3FAC]  }
0x2e: {  	s3 =	simm.s32 @!p0 $0x1082;
	s9 =	sld [smem:$0x3FAD]  }
0x2f: {  	lr =	sadd.s32 s0, s3;
	s0 =	sld [smem:$0x3FA4]  }
0x30: {  	s3 =	sld [smem:$0x3FA7]  }
0x31: {  	[smem:$0x3FB0] =	sst s10  }
0x32: {  	s10 =	sld [smem:$0x3FAE];
	_ =	sdelay $0x3  }
0x33: {  	p0 =	seq.s32 s10, $0x1;
	s10 =	sld [smem:$0x3FB0];
	_ =	sdelay $0x3  }
0x34: {  	[smem:$0x3FB0] =	sst s10  }
0x35: {  	s10 =	sld [smem:$0x3FAF];
	_ =	sdelay $0x3  }
0x36: {  	p1 =	seq.s32 s10, $0x1;
	s10 =	sld [smem:$0x3FB0];
	_ =	sdelay $0x3  }
0x37: {  	[smem:$0x3FB0] =	sst s10  }
0x38: {  	s10 =	sld [smem:$0x3FB1]  }
0x39: {  	_ = 	snop;
	(pc) =	sbr.ind lr, $3  }
0x3a: {  	_ = 	snop  }
0x3b: {  	_ = 	snop  }
0x3c: {  	p2 =	seq.s32 s10, $0x1;
	s10 =	sld [smem:$0x3FB0]  }
0x3d: {  	_ =	shalt  }
0x3e: {  	_ =	shalt  }
0x3f: {  	_ =	shalt  }
0x40: {  	_ =	shalt  }
0x41: {  	_ =	shalt  }
0x42: {  	_ =	shalt  }
0x43: {  	_ =	shalt  }
0x44: {  	_ =	shalt  }
0x45: {  	_ =	shalt  }
0x46: {  	_ =	shalt  }
0x47: {  	_ =	shalt  }
0x48: {  	_ =	shalt  }
0x49: {  	_ =	shalt  }
0x4a: {  	_ =	shalt  }
0x4b: {  	_ =	shalt  }
0x4c: {  	_ =	shalt  }
0x4d: {  	_ =	shalt  }
0x4e: {  	_ =	shalt  }
0x4f: {  	_ =	shalt  }
0x50: {  	_ =	shalt  }
0x51: {  	_ =	shalt  }
0x52: {  	_ =	shalt  }
0x53: {  	_ =	shalt  }
0x54: {  	_ =	shalt  }
0x55: {  	_ =	shalt  }
0x56: {  	_ =	shalt  }
0x57: {  	_ =	shalt  }
0x58: {  	_ =	shalt  }
0x59: {  	_ =	shalt  }
0x5a: {  	_ =	shalt  }
0x5b: {  	_ =	shalt  }
0x5c: {  	_ =	shalt  }
0x5d: {  	_ =	shalt  }
0x5e: {  	_ =	shalt  }
0x5f: {  	_ =	shalt  }
0x60: {  	_ =	shalt  }
0x61: {  	_ =	shalt  }
0x62: {  	_ =	shalt  }
0x63: {  	_ =	shalt  }
0x64: {  	_ =	shalt  }
0x65: {  	_ =	shalt  }
0x66: {  	_ =	shalt  }
0x67: {  	_ =	shalt  }
0x68: {  	_ =	shalt  }
0x69: {  	_ =	shalt  }
0x6a: {  	_ =	shalt  }
0x6b: {  	_ =	shalt  }
0x6c: {  	_ =	shalt  }
0x6d: {  	_ =	shalt  }
0x6e: {  	_ =	shalt  }
0x6f: {  	_ =	shalt  }
0x70: {  	_ =	shalt  }
0x71: {  	_ =	shalt  }
0x72: {  	_ =	shalt  }
0x73: {  	_ =	shalt  }
0x74: {  	_ =	shalt  }
0x75: {  	_ =	shalt  }
0x76: {  	_ =	shalt  }
0x77: {  	_ =	shalt  }
0x78: {  	_ =	shalt  }
0x79: {  	_ =	shalt  }
0x7a: {  	_ =	shalt  }
0x7b: {  	_ =	shalt  }
0x7c: {  	_ =	shalt  }
0x7d: {  	_ =	shalt  }
0x7e: {  	_ =	shalt  }
0x7f: {  	_ =	shalt  }
0x80: {  	_ =	shalt  }
0x81: {  	_ =	shalt  }
0x82: {  	_ =	shalt  }
0x83: {  	_ =	shalt  }
0x84: {  	_ =	shalt  }
0x85: {  	_ =	shalt  }
0x86: {  	_ =	shalt  }
0x87: {  	_ =	shalt  }
.Lfunc_end0:
.L_simem_size_0:
called_computation_lowered:
.L_overlay_start_0:
0x88: {  	s2 =	sld [smem:$0x3FD9]  }
0x89: {  	s3 =	sld [smem:$0x3FFE];
	_ =	sdelay $0x1  }
0x8a: {  	s1 =	srdreg.scid  }
0x8b: {  	s0 =	sand.u32 $0x1, s1  }
0x8c: {  	s17 =	sshll.u32 s0, $0xA;
	s2 =	sadd.s32 s3, s2  }
0x8d: {  	s2 =	sadd.s32 s2, s17  }
0x8e: {  	[smem:$0x3FBC] =	sst s2  }
0x8f: {  	_ = 	snop  }
0x90: {  	s18 =	sld [smem:$0x3FD0];
	(tm) =	ssettm $0x1  }
0x91: {  	s19 =	sld [smem:$0x3FFB];
	_ =	sdelay $0x3  }
0x92: {  	_ =	strace s19  }
0x93: {  	s2 =	sld [smem:$0x3FFC];
	_ =	sdelay $0x3  }
0x94: {  	_ =	strace s2  }
0x95: {  	s2 =	sld [smem:$0x3FFD];
	_ =	sdelay $0x3  }
0x96: {  	_ =	strace s2  }
0x97: {  	_ =	strace $0x8FFFFFFF  }
0x98: {  	s20 =	sld [smem:$0x3FDB];
	_ =	sdelay $0x1  }
0x99: {  	s4 =	simm.s32 $_scs_section_size  }
0x9a: {  	s5 =	simm.s32 $_size__tile_overlayer_lowered;
	s6 =	simm.s32 $_tile_overlayer_lowered  }
0x9b: {  	s7 =	simm.s32 $0x1BFF;
	s21 =	sshll.u32 s6, $0x1;
	s4 =	sadd.s32 s4, s20  }
0x9c: {  	s22 =	simm.s32 $0x0;
	s5 =	sshll.u32 s5, $0x1;
	s6 =	sadd.s32 s21, s4  }
0x9d: {  	[timem:s22], [sflag:s7] =	dma.local [hbm:s6], s5  }
0x9e: {  	_ =	swait.ge [sflag:s7], s5  }
0x9f: {  	s5 =	ssub.s32 $0x0, s5;
	[sflag:s7] =	ssyncset.done $0x0  }
0xa0: {  	[sflag:s7] =	ssyncadd.s32 s5;
	_ =	sdelay $0x1  }
0xa1: {  	s23 =	simm.s32 $0x1B8B  }
0xa2: {  	_ =	swait.ge [sflag:s23], $0x1  }
0xa3: {  	[sflag:s23] =	ssyncset.done $0x0  }
0xa4: {  	[sflag:s23] =	ssyncadd.s32 $0xFFFFFFFF  }
0xa5: {  	s5 =	sld [smem:$0x0]  }
0xa6: {  	s6 =	sand.u32 $0xFFFFFFFE, s1  }
0xa7: {  	p0 =	sne.s32 s1, s6  }
0xa8: {  	s6 =	sshll.u32 @p0 s6, $0xE  }
0xa9: {  	s6 =	sadd.s32 @p0 $0x11B8D, s6;
	s7 =	sshll.u32 @p0 s5, $0x11  }
0xaa: {  	s6 =	sor.u32 @p0 s7, s6  }
0xab: {  	[sflag:s6] =	ssyncadd.remote.s32 @p0 $0x1;
	_ =	sdelay $0x1  }
0xac: {  	s6 =	simm.s32 @p0 $0x1B8D  }
0xad: {  	_ =	swait.eq @p0 [sflag:s6], $0x1  }
0xae: {  	[sflag:s6] =	ssyncadd.s32 @p0 $0xFFFFFFFF  }
0xaf: {  	s7 =	sshll.u32 @!p0 s1, $0xE  }
0xb0: {  	s7 =	sor.u32 @!p0 $0x4000, s7;
	s6 =	simm.s32 @!p0 $0x1B8D  }
0xb1: {  	s5 =	sshll.u32 @!p0 s5, $0x11;
	s7 =	sadd.s32 @!p0 $0x11B8D, s7;
	_ =	swait.eq @!p0 [sflag:s6], $0x1  }
0xb2: {  	s5 =	sor.u32 @!p0 s5, s7;
	[sflag:s6] =	ssyncadd.s32 @!p0 $0xFFFFFFFF  }
0xb3: {  	s25 =	simm.s32 $0x1B8E;
	s24 =	sld [smem:$0x3FFE];
	[sflag:s5] =	ssyncadd.remote.s32 @!p0 $0x1  }
0xb4: {  	s26 =	simm.s32 $execute0_lowered;
	[smem:$0x3FD2] =	sst s25  }
0xb5: {  	s6 =	sshll.u32 s26, $0x1;
	_ =	strace $0x80000049;
	[dreg:$0x1] =	wrdreg $0xFFFFFFFF  }
0xb6: {  	s28 =	simm.s32 $_size_execute0_lowered;
	s4 =	sadd.s32 s4, s6;
	[dreg:$0x0] =	wrdreg $0x0  }
0xb7: {  	s6 =	sshll.u32 s28, $0x1;
	[dreg:$0x2] =	wrdreg s4  }
0xb8: {  	[dreg:$0x3] =	wrdreg s6  }
0xb9: {  	[dreg:$0x4] =	wrdreg $0xC0  }
0xba: {  	_ =	task [dreg:s22], $0x5FFFF  }
0xbb: {  	[dreg:$0x1] =	wrdreg $0xFFFFFFFF  }
0xbc: {  	[dreg:$0x0] =	wrdreg $0x60  }
0xbd: {  	[dreg:$0x2] =	wrdreg s24  }
0xbe: {  	[dreg:$0x3] =	wrdreg s18  }
0xbf: {  	[dreg:$0x4] =	wrdreg $0x2F800  }
0xc0: {  	[dreg:$0x5] =	wrdreg $0x9  }
0xc1: {  	_ =	task.clear_ibuf [dreg:s22], $0x6FFFF;
	_ =	strace $0x90000049  }
0xc2: {  	s29 =	simm.s32 $0x9;
	_ =	strace $0x8000004B  }
0xc3: {  	_ =	swait.ge [sflag:s29], $0x1  }
0xc4: {  	[sflag:s29] =	ssyncadd.s32 $0xFFFFFFFF  }
0xc5: {  	_ =	strace $0x9000004B  }
0xc6: {  	_ =	sfence  }
0xc7: {  	s30 =	sld [smem:$0x0];
	_ =	sdelay $0x2  }
0xc8: {  	s31 =	sshll.u32 s1, $0xD;
	s1 =	sshrl.u32 s1, $0x2  }
0xc9: {  	s4 =	sand.u32 $0x4000, s31;
	s1 =	sadd.s32 s1, s30  }
0xca: {  	s0 =	sor.u32 s4, s0;
	s1 =	sshll.u32 s1, $0x11  }
0xcb: {  	s0 =	sor.u32 s1, s0  }
0xcc: {  	s0 =	sadd.s32 $0x8F2B, s0  }
0xcd: {  	[sflag:s0] =	ssyncadd.remote.s32 $0x1  }
0xce: {  	_ =	sfence.sel $0xFFFF  }
0xcf: {  	[dreg:$0x0] =	wrdreg $0xFFFFFFFF;
	(pc) =	sbr.abs _section_cstart, $3  }
0xd0: {  	[dreg:$0x1] =	wrdreg $0xFFFFFFFF  }
0xd1: {  	_ =	task.clear_ibuf [dreg:s22], $0x2FFFF;
	_ =	strace $0x9FFFFFFF  }
0xd2: {  	(tm) =	ssettm $0x7FFFFFFF  }
0xd3: {  	_ =	shalt  }
tec
execute0_lowered:
.L_overlay_start_1:
0x0: {  	(tag) =	ssettag $0x1  }
0x1: {  	s7 =	rddreg [dreg:$0x0]  }
0x2: {  	s2 =	rddreg [dreg:$0x1]  }
0x3: {  	s0 =	srdreg.scid;
	s3 =	rddreg [dreg:$0x2];
	s4 =	simm.s32 $0x0  }
0x4: {  	s16 =	simm.s32 $0x1;
	s5 =	sand.u32 $0x1, s0;
	s0 =	stileid.u32  }
0x5: {  	s17 =	simm.s32 $0x0;
	[smem:$0x7FF] =	sst s4;
	s28 =	smul.u32 $0x500, s0  }
0x6: {  	s1 =	sshll.u32 s5, $0x4;
	s9 =	smul.u32 $0x5000, s5;
	s12 =	ssub.s32 $0x2, s5  }
0x7: {  	s5 =	sadd.s32 $0x52E00, s7;
	s13 =	smul.u32 $0xA000, s0;
	s31 =	sshll.u32 s0, $0x6  }
0x8: {  	s11 =	sor.u32 s0, s1;
	s1 =	rddreg [dreg:$0x3];
	_ =	strace $0x8000004A  }
0x9: {  	s29 =	sshrl.u32 s12, $0x1;
	s6 =	smul.u32 $0x4E, s11;
	s8 =	smin.u32 s11, $0x4  }
0xa: {  	p0 =	slt.u32 s11, $0x4;
	s12 =	ssub.s32 s12, s29;
	s30 =	sshrl.u32 s13, $0x2  }
0xb: {  	s13 =	sor.u32 $0x1C02, s31;
	s6 =	sadd.s32 s8, s6;
	s8 =	sadd.s32 s28, s9  }
0xc: {  	s15 =	sadd.s32 s30, s3;
	s6 =	sshll.u32 s6, $0x4;
	s14 =	sadd.s32 s8, s7  }
0xd: {  	s10 =	sadd.s32 s6, s7;
	s6 =	simm.s32 $0x4F;
	s9 =	sadd.s32 $0x53000, s14  }
0xe: {  	s14 =	sshrl.u32 s15, $0x3;
	s15 =	simm.s32 $0x80;
	s6 =	simm.s32 @!p0 $0x4E  }
0xf: {  	s7 =	sadd.s32 $0x1E00, s10;
	s8 =	sadd.s32 $0x22E0, s10;
	s10 =	smax.u32 s12, $0x1  }
0x10: {  	p0 =	sgt.u32 s11, $0x3;
	s11 =	simm.s32 $0x2;
	s12 =	simm.s32 $0x2780  }
.LBB2_1:
0x11: {  	[tilespmem:s4], [sflag:$0x2] =	stream.linear.gather [hbm4b:s7+s4], $0x2700, $0x38;
	[tilespmem:$0x5780] =	vst v63  }
0x12: {  	_ =	swait.ge [sflag:s11], $0x2700  }
0x13: {  	[sflag:s11] =	ssyncset.done $0x0  }
0x14: {  	s18 =	simm.s32 @!p0 $0x0;
	s19 =	simm.s32 @!p0 $0x2700;
	[sflag:s11] =	ssyncadd.s32 $0xFFFFD900  }
0x15: {  	[tilespmem:s19], [sflag:$0x2] =	stream.linear.gather @!p0 [hbm4b:s8+s18], $0x80, $0x38;
	[tilespmem:$0x5780] =	vst v63  }
0x16: {  	s18 =	simm.s32 @!p0 $0x2  }
0x17: {  	_ =	swait.ge @!p0 [sflag:s18], $0x80  }
0x18: {  	[sflag:s18] =	ssyncset.done @!p0 $0x0  }
0x19: {  	[sflag:s18] =	ssyncadd.s32 @!p0 $0xFFFFFF80  }
0x1a: {  	[tilespmem:s12], [sflag:$0x2] =	stream.linear.gather [hbm4b:s5+s4], $0x800, $0x38;
	[tilespmem:$0x5780] =	vst v63  }
0x1b: {  	_ =	swait.ge [sflag:s11], $0x800  }
0x1c: {  	[sflag:s11] =	ssyncset.done $0x0  }
0x1d: {  	p1 =	sne.s32 s6, $0x1;
	[sflag:s11] =	ssyncadd.s32 $0xFFFFF800  }
0x1e: {  	[spmem:s14], [sflag:s13] =	dma.local [hbm:s2], $0x500  }
.Ltmp0:
0x1f: {  	_ =	swait.ge [sflag:s11], $0x500;
	(pc) =	sbr.rel @!p1 .LBB2_3-.Ltmp0, $4  }
0x20: {  	[sflag:s11] =	ssyncset.done $0x0  }
0x21: {  	[sflag:s11] =	ssyncadd.s32 $0xFFFFFB00  }
0x22: {  	s19 =	simm.s32 $0x0;
	s18 =	sadd.s32 $0xFFFFFFFF, s6;
	[bflag:$0x0] =	sbarrier.arrive $0xFFFF  }
0x23: {  	[spmem:s3] =	stream.indirect.scatter.add.f32 [tilespmem:s12], [sflag:$0x1], $0x10, s4, s15, $0xb8;
	[tilespmem:$0x5780] =	vst v63  }
.LBB2_2:
0x24: {  	p2 =	sne.s32 s18, $0x1  }
.Ltmp1:
0x25: {  	_ = 	snop;
	(pc) =	sbr.rel @p2 .LBB2_2-.Ltmp1, $3  }
0x26: {  	_ = 	snop  }
0x27: {  	s18 =	sadd.s32 $0xFFFFFFFF, s18;
	s19 =	sadd.s32 $0x80, s19;
	_ =	sdelay $0x1  }
0x28: {  	[spmem:s3] =	stream.indirect.scatter.add.f32 [tilespmem:s12], [sflag:$0x1], $0x10, s19, s15, $0xb8;
	[tilespmem:$0x5780] =	vst v63  }
.LBB2_3:
.Ltmp2:
0x29: {  	(pc) =	sbr.rel @!p1 .LBB2_5-.Ltmp2, $3  }
0x2a: {  	_ =	sdelay $0x1  }
0x2b: {  	_ =	swait.ge [sflag:s16], $0x800  }
0x2c: {  	s18 =	sadd.s32 $0xFFFFFFFF, s6;
	[sflag:s16] =	ssyncset.done $0x0  }
.LBB2_4:
0x2d: {  	p1 =	sne.s32 s18, $0x1;
	s18 =	sadd.s32 $0xFFFFFFFF, s18;
	[sflag:s16] =	ssyncadd.s32 $0xFFFFF800  }
.Ltmp3:
0x2e: {  	(pc) =	sbr.rel @p1 .LBB2_4-.Ltmp3, $3  }
0x2f: {  	_ =	sdelay $0x1  }
0x30: {  	_ =	swait.ge [sflag:s16], $0x800  }
0x31: {  	[sflag:s16] =	ssyncset.done $0x0  }
.LBB2_5:
0x32: {  	s17 =	sadd.s32 $0x1, s17  }
0x33: {  	[sflag:s16] =	ssyncadd.s32 $0xFFFFF800;
	p1 =	sne.s32 s17, s10  }
.Ltmp4:
0x34: {  	[bflag:$0x0] =	sbarrier.arrive $0xFFFF;
	(pc) =	sbr.rel @p1 .LBB2_1-.Ltmp4, $4  }
0x35: {  	[hbm:s9], [sflag:s13] =	dma.local [spmem:s14], $0x500  }
0x36: {  	_ =	swait.ge [sflag:s11], $0x500  }
0x37: {  	[sflag:s11] =	ssyncset.done $0x0  }
0x38: {  	[sflag:s11] =	ssyncadd.s32 $0xFFFFFB00  }
0x39: {  	_ =	sfence.sel $0x180000  }
0x3a: {  	[bflag:$0x0] =	sbarrier.arrive $0xFFFF  }
0x3b: {  	p0 =	sne.s32 s0, $0x0;
	_ =	strace $0x9000004A  }
0x3c: {  	s0 =	sadd.s32 @!p0 $0x100000, s1;
	[bflag:$0x2] =	sbarrier.arrive $0xFFFF  }
0x3d: {  	[sflag:s0] =	ssyncadd.tile.s32 @!p0 $0x1;
	_ =	shalt  }
.Lfunc_end2:
_tile_overlayer_lowered:
.L_overlay_start_2:
0x3e: {  	(tag) =	ssettag $0x2  }
0x3f: {  	s0 =	rddreg [dreg:$0x0];
	s2 =	stileid.u32  }
0x40: {  	s1 =	rddreg [dreg:$0x1];
	p0 =	sne.s32 s2, $0x0  }
0x41: {  	s3 =	rddreg [dreg:$0x2];
	[bflag:$0x3] =	sbarrier.arrive $0xFFFF;
	s2 =	simm.s32 @!p0 $0x1C02  }
0x42: {  	[timem:s3], [sflag:s2] =	dma.local @!p0 [hbm:s0], s1  }
0x43: {  	s0 =	simm.s32 @!p0 $0x2  }
0x44: {  	_ =	swait.ge @!p0 [sflag:s0], s1  }
0x45: {  	s1 =	ssub.s32 @!p0 $0x0, s1;
	[sflag:s0] =	ssyncset.done @!p0 $0x0  }
0x46: {  	[sflag:s0] =	ssyncadd.s32 @!p0 s1  }
0x47: {  	[bflag:$0x3] =	sbarrier.arrive $0xFFFF  }
0x48: {  	_ =	shalt  }

</sc_bundles>
